<compile_context>
chip_gen: v7x
topology: tpu7x:2x2x1
jax: 0.10.2.dev20260603
libtpu: 0.0.44.dev20260713+nightly
codegen_flags: <defaults>
</compile_context>

<pallas_src>
import functools

import jax
import jax.numpy as jnp
from jax import lax
from jax.experimental import pallas as pl
from jax.experimental.pallas import tpu as pltpu
from jax.experimental.pallas import tpu_sc as plsc

_NB = 2


def _make_sc_kernel(B, L, W, N, NC, NS):
    NW = NC * NS
    BM = 64
    NBLK = B // 128
    n_chunks_tot = L * NBLK * 2
    n_chunks = n_chunks_tot // NW
    n_rounds = n_chunks // _NB
    NR = N // 8
    LANES = 16
    inv_w = 1.0 / W
    idx_rows_per_w = (n_chunks // 2) // 2

    mesh = plsc.VectorSubcoreMesh(
        core_axis_name="c", subcore_axis_name="s", num_cores=NC, num_subcores=NS
    )

    @functools.partial(
        pl.kernel,
        out_type=jax.ShapeDtypeStruct((L, NR, NBLK, 8, 128), jnp.float32),
        mesh=mesh,
        scratch_types=[
            pltpu.VMEM((idx_rows_per_w, 8, 128), jnp.int32),
            pltpu.VMEM((_NB, W, BM, 128), jnp.float32),
            pltpu.VMEM((_NB, NR, 8, 128), jnp.float32),
        ]
        + [pltpu.SemaphoreType.DMA] * (2 * _NB),
        compiler_params=pltpu.CompilerParams(
            needs_layout_passes=False, disable_bounds_checks=True
        ),
    )
    def sc_kernel(idx_hbm, table_hbm, out_hbm, idx_v, rows_v, out_v, *sems):
        gsems, ssems = sems[:_NB], sems[_NB:]
        wid = lax.axis_index("s") * NC + lax.axis_index("c")
        pltpu.sync_copy(
            idx_hbm.at[pl.ds(wid * idx_rows_per_w, idx_rows_per_w)], idx_v
        )

        def idx_slice(t, w):
            h = t & 1
            lcl = t >> 1
            p = lcl >> 1
            j = ((lcl & 1) << 2) + w
            return idx_v.at[p, j, pl.ds(h * BM, BM)]

        def fire_gathers(t, b):
            for w in range(W):
                pltpu.async_copy(
                    table_hbm.at[idx_slice(t, w)], rows_v.at[b, w], gsems[b]
                )

        def wait_gathers(t, b):
            for w in range(W):
                pltpu.make_async_copy(
                    table_hbm.at[idx_slice(t, w)], rows_v.at[b, w], gsems[b]
                ).wait()

        def out_block(t):
            g = wid * n_chunks + t
            l = g // (NBLK * 2)
            rem = g % (NBLK * 2)
            c = rem >> 1
            h = rem & 1
            return out_hbm.at[l, pl.ds(0, NR), c, pl.ds(0, 8), pl.ds(h * BM, BM)]

        def out_src(b):
            return out_v.at[b, pl.ds(0, NR), pl.ds(0, 8), pl.ds(0, BM)]

        for b in range(_NB):
            fire_gathers(b, b)

        iota = lax.iota(jnp.int32, LANES)
        nr_vecs = [(iota + n0 * LANES) >> 3 for n0 in range(N // LANES)]
        n8_vecs = [(iota + n0 * LANES) & 7 for n0 in range(N // LANES)]

        def round_body(r, carry):
            for b in range(_NB):
                t = r * _NB + b
                wait_gathers(t, b)

                @pl.when(r > 0)
                def _():
                    pltpu.make_async_copy(
                        out_src(b), out_block(t - _NB), ssems[b]
                    ).wait()

                def bm_body(bm2, _):
                    for u in range(2):
                        bm = bm2 * 2 + u
                        bm_vec = jnp.full((LANES,), 0, jnp.int32) + bm
                        for n0 in range(N // LANES):
                            sl = pl.ds(n0 * LANES, LANES)
                            acc = rows_v[b, 0, bm, sl]
                            for w in range(1, W):
                                acc = acc + rows_v[b, w, bm, sl]
                            plsc.store_scatter(
                                out_v.at[b],
                                [nr_vecs[n0], n8_vecs[n0], bm_vec],
                                acc * inv_w,
                            )
                    return _

                lax.fori_loop(0, BM // 2, bm_body, 0)

                @pl.when(t + _NB < n_chunks)
                def _():
                    fire_gathers(t + _NB, b)

                pltpu.async_copy(out_src(b), out_block(t), ssems[b])

            return carry

        lax.fori_loop(0, n_rounds, round_body, 0)

        for b in range(_NB):
            pltpu.make_async_copy(
                out_src(b), out_block(n_chunks - _NB + b), ssems[b]
            ).wait()

    return sc_kernel


def kernel(indices, table):
    B, L, W = indices.shape
    V, N = table.shape
    try:
        info = plsc.get_sparse_core_info()
        NC, NS = info.num_cores, info.num_subcores
    except ValueError:
        NC, NS = 2, 16
    if indices.dtype != jnp.int32:
        indices = indices.astype(jnp.int32)
    tpad = jnp.pad(table, ((0, 0), (0, 128 - N)))
    it = jnp.transpose(indices, (1, 2, 0))
    it = it.reshape(L, W, B // 128, 128)
    it = jnp.transpose(it, (0, 2, 1, 3))
    it = it.reshape(L * B // 256, 8, 128)
    out = _make_sc_kernel(B, L, W, N, NC, NS)(it, tpad)
    o = jnp.transpose(out, (0, 1, 3, 2, 4))
    o = o.reshape(L, N, B)
    return jnp.transpose(o, (2, 0, 1))

# --- scband reference (transcript-rebuilt; emitter-appended) ---
"""Pipeline reference for scband-word-embedding-47356309405725 (READ-ONLY COPY).

The authoritative reference and input builder live on the scoring server;
editing this copy changes nothing except your own understanding.
"""

import jax, jax.numpy as jnp
import numpy as np

B, L, W = 4096, 50, 4
VOCAB, N_WORD = 1000000, 64

def setup_inputs(seed: int = 0) -> dict:
    key = jax.random.key(seed)
    k1, k2 = jax.random.split(key)
    indices = jax.random.randint(k1, (B, L, W), 0, VOCAB, dtype=jnp.int64)
    table = jax.random.normal(k2, (VOCAB, N_WORD), dtype=jnp.float32)
    return {"indices": indices, "table": table}

def reference(indices, table):
    # Faithful tensorization of WordEmbedding.gen_x_batch:
    # for each question (B), for each token (L), look up the embedding of each of
    # its W sub-words in the word_emb dict, sum them, and divide by the number of
    # sub-words (emb_avg = emb_sum / ws_len). Output is the padded batch tensor
    # val_emb_array of shape [B, max_len, N_word].
    emb = jnp.take(table, indices, axis=0)          # [B, L, W, N_word] gather
    emb_sum = jnp.sum(emb, axis=2)                   # sum over sub-words
    emb_avg = emb_sum / float(W)                     # average (ws_len == W here)
    return emb_avg                                   # [B, L, N_word]

if __name__ == "__main__":
    import jax
    _d = setup_inputs()
    print(jax.jit(kernel)(*tuple(_d.values())))

</pallas_src>

<mosaic_0001>
#map = affine_map<(d0, d1) -> (0, 0, 0)>
#map1 = affine_map<(d0, d1) -> (0, 0)>
#map2 = affine_map<(d0, d1) -> (0, 0, 0, 0, 0)>
module attributes {stable_mosaic.version = 14 : i64} {
  func.func @sc_kernel(%arg0: i32, %arg1: i32, %arg2: memref<800x8x128xi32, #tpu.memory_space<hbm>>, %arg3: memref<1000000x128xf32, #tpu.memory_space<hbm>>, %arg4: memref<50x8x32x8x128xf32, #tpu.memory_space<hbm>>, %arg5: memref<25x8x128xi32, #tpu.memory_space<vmem>>, %arg6: memref<2x4x64x128xf32, #tpu.memory_space<vmem>>, %arg7: memref<2x8x8x128xf32, #tpu.memory_space<vmem>>, %arg8: memref<!tpu.dma_semaphore, #tpu.memory_space<semaphore_mem>>, %arg9: memref<!tpu.dma_semaphore, #tpu.memory_space<semaphore_mem>>, %arg10: memref<!tpu.dma_semaphore, #tpu.memory_space<semaphore_mem>>, %arg11: memref<!tpu.dma_semaphore, #tpu.memory_space<semaphore_mem>>) attributes {dimension_semantics = [#tpu.dimension_semantics<core_parallel>, #tpu.dimension_semantics<subcore_parallel>], iteration_bounds = array<i64: 2, 16>, scalar_prefetch = 0 : i64, scratch_operands = 7 : i64, tpu.core_type = #tpu.core_type<sc_vector_subcore>, window_params = [{transform_indices = #map}, {transform_indices = #map1}, {transform_indices = #map2}]} {
    %mul3A = arith.constant 2 : i32
    %mul3A_0 = arith.muli %arg1, %mul3A : i32
    %add3A = arith.addi %mul3A_0, %arg0 : i32
    %mul3A_1 = arith.constant 25 : i32
    %mul3A_2 = arith.muli %add3A, %mul3A_1 : i32
    "tpu.region"() ({
      %run_scoped3A = tpu.sem_alloc : memref<!tpu.dma_semaphore, #tpu.memory_space<semaphore_mem>>
      %dma_start3A_293 = arith.constant 0 : i32
      %dma_start3A_294 = arith.constant 0 : i32
      %dma_start3A_295 = tpu.memref_slice %arg2[%mul3A_2, %dma_start3A_293, %dma_start3A_294] : memref<800x8x128xi32, #tpu.memory_space<hbm>> -> memref<25x8x128xi32, #tpu.memory_space<hbm>>
      %dma_start3A_296 = arith.constant 0 : i32
      %dma_start3A_297 = arith.constant 0 : i32
      %dma_start3A_298 = tpu.memref_slice %arg2[%mul3A_2, %dma_start3A_296, %dma_start3A_297] : memref<800x8x128xi32, #tpu.memory_space<hbm>> -> memref<25x8x128xi32, #tpu.memory_space<hbm>>
      tpu.enqueue_dma source(%dma_start3A_298 : memref<25x8x128xi32, #tpu.memory_space<hbm>>) target(%arg5 : memref<25x8x128xi32, #tpu.memory_space<vmem>>) target_semaphore(%run_scoped3A : memref<!tpu.dma_semaphore, #tpu.memory_space<semaphore_mem>>)
      %dma_wait3A_299 = arith.constant 0 : i32
      %dma_wait3A_300 = arith.constant 0 : i32
      %dma_wait3A_301 = tpu.memref_slice %arg2[%mul3A_2, %dma_wait3A_299, %dma_wait3A_300] : memref<800x8x128xi32, #tpu.memory_space<hbm>> -> memref<25x8x128xi32, #tpu.memory_space<hbm>>
      %dma_wait3A_302 = arith.constant 0 : i32
      %dma_wait3A_303 = arith.constant 0 : i32
      %dma_wait3A_304 = tpu.memref_slice %arg2[%mul3A_2, %dma_wait3A_302, %dma_wait3A_303] : memref<800x8x128xi32, #tpu.memory_space<hbm>> -> memref<25x8x128xi32, #tpu.memory_space<hbm>>
      tpu.wait_dma2 semaphore(%run_scoped3A : memref<!tpu.dma_semaphore, #tpu.memory_space<semaphore_mem>>) src(%dma_wait3A_304 : memref<25x8x128xi32, #tpu.memory_space<hbm>>) dst(%arg5 : memref<25x8x128xi32, #tpu.memory_space<vmem>>)
      tpu.yield
    }) : () -> ()
    %dma_start3A = arith.constant 0 : i32
    %dma_start3A_3 = arith.constant 0 : i32
    %dma_start3A_4 = arith.constant 0 : i32
    %dma_start3A_5 = arith.constant 0 : i32
    %dma_start3A_6 = arith.constant 0 : i32
    %dma_start3A_7 = arith.constant 0 : i32
    %dma_start3A_8 = tpu.memref_slice %arg6[%dma_start3A_4, %dma_start3A_5, %dma_start3A_6, %dma_start3A_7] : memref<2x4x64x128xf32, #tpu.memory_space<vmem>> -> memref<1x1x64x128xf32, #tpu.memory_space<vmem>>
    %dma_start3A_9 = tpu.memref_squeeze %dma_start3A_8 : memref<1x1x64x128xf32, #tpu.memory_space<vmem>> -> memref<64x128xf32, #tpu.memory_space<vmem>>
    %dma_start3A_10 = arith.constant 0 : i32
    %dma_start3A_11 = tpu.memref_slice %arg5[%dma_start3A, %dma_start3A_3, %dma_start3A_10] : memref<25x8x128xi32, #tpu.memory_space<vmem>> -> memref<1x1x64xi32, #tpu.memory_space<vmem>>
    %dma_start3A_12 = tpu.memref_squeeze %dma_start3A_11 : memref<1x1x64xi32, #tpu.memory_space<vmem>> -> memref<64xi32, #tpu.memory_space<vmem>>
    %dma_start3A_13 = arith.constant 0 : i32
    %dma_start3A_14 = arith.constant 0 : i32
    %dma_start3A_15 = tpu.memref_slice %arg3[%dma_start3A_13, %dma_start3A_14] : memref<1000000x128xf32, #tpu.memory_space<hbm>> -> memref<1000000x128xf32, #tpu.memory_space<hbm>>
    tpu.enqueue_indirect_dma source(%dma_start3A_15 : memref<1000000x128xf32, #tpu.memory_space<hbm>>) target(%dma_start3A_9 : memref<64x128xf32, #tpu.memory_space<vmem>>) offsets(%dma_start3A_12 : memref<64xi32, #tpu.memory_space<vmem>>) semaphore(%arg8 : memref<!tpu.dma_semaphore, #tpu.memory_space<semaphore_mem>>)
    %dma_start3A_16 = arith.constant 0 : i32
    %dma_start3A_17 = arith.constant 1 : i32
    %dma_start3A_18 = arith.constant 0 : i32
    %dma_start3A_19 = arith.constant 1 : i32
    %dma_start3A_20 = arith.constant 0 : i32
    %dma_start3A_21 = arith.constant 0 : i32
    %dma_start3A_22 = tpu.memref_slice %arg6[%dma_start3A_18, %dma_start3A_19, %dma_start3A_20, %dma_start3A_21] : memref<2x4x64x128xf32, #tpu.memory_space<vmem>> -> memref<1x1x64x128xf32, #tpu.memory_space<vmem>>
    %dma_start3A_23 = tpu.memref_squeeze %dma_start3A_22 : memref<1x1x64x128xf32, #tpu.memory_space<vmem>> -> memref<64x128xf32, #tpu.memory_space<vmem>>
    %dma_start3A_24 = arith.constant 0 : i32
    %dma_start3A_25 = tpu.memref_slice %arg5[%dma_start3A_16, %dma_start3A_17, %dma_start3A_24] : memref<25x8x128xi32, #tpu.memory_space<vmem>> -> memref<1x1x64xi32, #tpu.memory_space<vmem>>
    %dma_start3A_26 = tpu.memref_squeeze %dma_start3A_25 : memref<1x1x64xi32, #tpu.memory_space<vmem>> -> memref<64xi32, #tpu.memory_space<vmem>>
    %dma_start3A_27 = arith.constant 0 : i32
    %dma_start3A_28 = arith.constant 0 : i32
    %dma_start3A_29 = tpu.memref_slice %arg3[%dma_start3A_27, %dma_start3A_28] : memref<1000000x128xf32, #tpu.memory_space<hbm>> -> memref<1000000x128xf32, #tpu.memory_space<hbm>>
    tpu.enqueue_indirect_dma source(%dma_start3A_29 : memref<1000000x128xf32, #tpu.memory_space<hbm>>) target(%dma_start3A_23 : memref<64x128xf32, #tpu.memory_space<vmem>>) offsets(%dma_start3A_26 : memref<64xi32, #tpu.memory_space<vmem>>) semaphore(%arg8 : memref<!tpu.dma_semaphore, #tpu.memory_space<semaphore_mem>>)
    %dma_start3A_30 = arith.constant 0 : i32
    %dma_start3A_31 = arith.constant 2 : i32
    %dma_start3A_32 = arith.constant 0 : i32
    %dma_start3A_33 = arith.constant 2 : i32
    %dma_start3A_34 = arith.constant 0 : i32
    %dma_start3A_35 = arith.constant 0 : i32
    %dma_start3A_36 = tpu.memref_slice %arg6[%dma_start3A_32, %dma_start3A_33, %dma_start3A_34, %dma_start3A_35] : memref<2x4x64x128xf32, #tpu.memory_space<vmem>> -> memref<1x1x64x128xf32, #tpu.memory_space<vmem>>
    %dma_start3A_37 = tpu.memref_squeeze %dma_start3A_36 : memref<1x1x64x128xf32, #tpu.memory_space<vmem>> -> memref<64x128xf32, #tpu.memory_space<vmem>>
    %dma_start3A_38 = arith.constant 0 : i32
    %dma_start3A_39 = tpu.memref_slice %arg5[%dma_start3A_30, %dma_start3A_31, %dma_start3A_38] : memref<25x8x128xi32, #tpu.memory_space<vmem>> -> memref<1x1x64xi32, #tpu.memory_space<vmem>>
    %dma_start3A_40 = tpu.memref_squeeze %dma_start3A_39 : memref<1x1x64xi32, #tpu.memory_space<vmem>> -> memref<64xi32, #tpu.memory_space<vmem>>
    %dma_start3A_41 = arith.constant 0 : i32
    %dma_start3A_42 = arith.constant 0 : i32
    %dma_start3A_43 = tpu.memref_slice %arg3[%dma_start3A_41, %dma_start3A_42] : memref<1000000x128xf32, #tpu.memory_space<hbm>> -> memref<1000000x128xf32, #tpu.memory_space<hbm>>
    tpu.enqueue_indirect_dma source(%dma_start3A_43 : memref<1000000x128xf32, #tpu.memory_space<hbm>>) target(%dma_start3A_37 : memref<64x128xf32, #tpu.memory_space<vmem>>) offsets(%dma_start3A_40 : memref<64xi32, #tpu.memory_space<vmem>>) semaphore(%arg8 : memref<!tpu.dma_semaphore, #tpu.memory_space<semaphore_mem>>)
    %dma_start3A_44 = arith.constant 0 : i32
    %dma_start3A_45 = arith.constant 3 : i32
    %dma_start3A_46 = arith.constant 0 : i32
    %dma_start3A_47 = arith.constant 3 : i32
    %dma_start3A_48 = arith.constant 0 : i32
    %dma_start3A_49 = arith.constant 0 : i32
    %dma_start3A_50 = tpu.memref_slice %arg6[%dma_start3A_46, %dma_start3A_47, %dma_start3A_48, %dma_start3A_49] : memref<2x4x64x128xf32, #tpu.memory_space<vmem>> -> memref<1x1x64x128xf32, #tpu.memory_space<vmem>>
    %dma_start3A_51 = tpu.memref_squeeze %dma_start3A_50 : memref<1x1x64x128xf32, #tpu.memory_space<vmem>> -> memref<64x128xf32, #tpu.memory_space<vmem>>
    %dma_start3A_52 = arith.constant 0 : i32
    %dma_start3A_53 = tpu.memref_slice %arg5[%dma_start3A_44, %dma_start3A_45, %dma_start3A_52] : memref<25x8x128xi32, #tpu.memory_space<vmem>> -> memref<1x1x64xi32, #tpu.memory_space<vmem>>
    %dma_start3A_54 = tpu.memref_squeeze %dma_start3A_53 : memref<1x1x64xi32, #tpu.memory_space<vmem>> -> memref<64xi32, #tpu.memory_space<vmem>>
    %dma_start3A_55 = arith.constant 0 : i32
    %dma_start3A_56 = arith.constant 0 : i32
    %dma_start3A_57 = tpu.memref_slice %arg3[%dma_start3A_55, %dma_start3A_56] : memref<1000000x128xf32, #tpu.memory_space<hbm>> -> memref<1000000x128xf32, #tpu.memory_space<hbm>>
    tpu.enqueue_indirect_dma source(%dma_start3A_57 : memref<1000000x128xf32, #tpu.memory_space<hbm>>) target(%dma_start3A_51 : memref<64x128xf32, #tpu.memory_space<vmem>>) offsets(%dma_start3A_54 : memref<64xi32, #tpu.memory_space<vmem>>) semaphore(%arg8 : memref<!tpu.dma_semaphore, #tpu.memory_space<semaphore_mem>>)
    %dma_start3A_58 = arith.constant 0 : i32
    %dma_start3A_59 = arith.constant 0 : i32
    %dma_start3A_60 = arith.constant 1 : i32
    %dma_start3A_61 = arith.constant 0 : i32
    %dma_start3A_62 = arith.constant 0 : i32
    %dma_start3A_63 = arith.constant 0 : i32
    %dma_start3A_64 = tpu.memref_slice %arg6[%dma_start3A_60, %dma_start3A_61, %dma_start3A_62, %dma_start3A_63] : memref<2x4x64x128xf32, #tpu.memory_space<vmem>> -> memref<1x1x64x128xf32, #tpu.memory_space<vmem>>
    %dma_start3A_65 = tpu.memref_squeeze %dma_start3A_64 : memref<1x1x64x128xf32, #tpu.memory_space<vmem>> -> memref<64x128xf32, #tpu.memory_space<vmem>>
    %dma_start3A_66 = arith.constant 64 : i32
    %dma_start3A_67 = tpu.memref_slice %arg5[%dma_start3A_58, %dma_start3A_59, %dma_start3A_66] : memref<25x8x128xi32, #tpu.memory_space<vmem>> -> memref<1x1x64xi32, #tpu.memory_space<vmem>>
    %dma_start3A_68 = tpu.memref_squeeze %dma_start3A_67 : memref<1x1x64xi32, #tpu.memory_space<vmem>> -> memref<64xi32, #tpu.memory_space<vmem>>
    %dma_start3A_69 = arith.constant 0 : i32
    %dma_start3A_70 = arith.constant 0 : i32
    %dma_start3A_71 = tpu.memref_slice %arg3[%dma_start3A_69, %dma_start3A_70] : memref<1000000x128xf32, #tpu.memory_space<hbm>> -> memref<1000000x128xf32, #tpu.memory_space<hbm>>
    tpu.enqueue_indirect_dma source(%dma_start3A_71 : memref<1000000x128xf32, #tpu.memory_space<hbm>>) target(%dma_start3A_65 : memref<64x128xf32, #tpu.memory_space<vmem>>) offsets(%dma_start3A_68 : memref<64xi32, #tpu.memory_space<vmem>>) semaphore(%arg9 : memref<!tpu.dma_semaphore, #tpu.memory_space<semaphore_mem>>)
    %dma_start3A_72 = arith.constant 0 : i32
    %dma_start3A_73 = arith.constant 1 : i32
    %dma_start3A_74 = arith.constant 1 : i32
    %dma_start3A_75 = arith.constant 1 : i32
    %dma_start3A_76 = arith.constant 0 : i32
    %dma_start3A_77 = arith.constant 0 : i32
    %dma_start3A_78 = tpu.memref_slice %arg6[%dma_start3A_74, %dma_start3A_75, %dma_start3A_76, %dma_start3A_77] : memref<2x4x64x128xf32, #tpu.memory_space<vmem>> -> memref<1x1x64x128xf32, #tpu.memory_space<vmem>>
    %dma_start3A_79 = tpu.memref_squeeze %dma_start3A_78 : memref<1x1x64x128xf32, #tpu.memory_space<vmem>> -> memref<64x128xf32, #tpu.memory_space<vmem>>
    %dma_start3A_80 = arith.constant 64 : i32
    %dma_start3A_81 = tpu.memref_slice %arg5[%dma_start3A_72, %dma_start3A_73, %dma_start3A_80] : memref<25x8x128xi32, #tpu.memory_space<vmem>> -> memref<1x1x64xi32, #tpu.memory_space<vmem>>
    %dma_start3A_82 = tpu.memref_squeeze %dma_start3A_81 : memref<1x1x64xi32, #tpu.memory_space<vmem>> -> memref<64xi32, #tpu.memory_space<vmem>>
    %dma_start3A_83 = arith.constant 0 : i32
    %dma_start3A_84 = arith.constant 0 : i32
    %dma_start3A_85 = tpu.memref_slice %arg3[%dma_start3A_83, %dma_start3A_84] : memref<1000000x128xf32, #tpu.memory_space<hbm>> -> memref<1000000x128xf32, #tpu.memory_space<hbm>>
    tpu.enqueue_indirect_dma source(%dma_start3A_85 : memref<1000000x128xf32, #tpu.memory_space<hbm>>) target(%dma_start3A_79 : memref<64x128xf32, #tpu.memory_space<vmem>>) offsets(%dma_start3A_82 : memref<64xi32, #tpu.memory_space<vmem>>) semaphore(%arg9 : memref<!tpu.dma_semaphore, #tpu.memory_space<semaphore_mem>>)
    %dma_start3A_86 = arith.constant 0 : i32
    %dma_start3A_87 = arith.constant 2 : i32
    %dma_start3A_88 = arith.constant 1 : i32
    %dma_start3A_89 = arith.constant 2 : i32
    %dma_start3A_90 = arith.constant 0 : i32
    %dma_start3A_91 = arith.constant 0 : i32
    %dma_start3A_92 = tpu.memref_slice %arg6[%dma_start3A_88, %dma_start3A_89, %dma_start3A_90, %dma_start3A_91] : memref<2x4x64x128xf32, #tpu.memory_space<vmem>> -> memref<1x1x64x128xf32, #tpu.memory_space<vmem>>
    %dma_start3A_93 = tpu.memref_squeeze %dma_start3A_92 : memref<1x1x64x128xf32, #tpu.memory_space<vmem>> -> memref<64x128xf32, #tpu.memory_space<vmem>>
    %dma_start3A_94 = arith.constant 64 : i32
    %dma_start3A_95 = tpu.memref_slice %arg5[%dma_start3A_86, %dma_start3A_87, %dma_start3A_94] : memref<25x8x128xi32, #tpu.memory_space<vmem>> -> memref<1x1x64xi32, #tpu.memory_space<vmem>>
    %dma_start3A_96 = tpu.memref_squeeze %dma_start3A_95 : memref<1x1x64xi32, #tpu.memory_space<vmem>> -> memref<64xi32, #tpu.memory_space<vmem>>
    %dma_start3A_97 = arith.constant 0 : i32
    %dma_start3A_98 = arith.constant 0 : i32
    %dma_start3A_99 = tpu.memref_slice %arg3[%dma_start3A_97, %dma_start3A_98] : memref<1000000x128xf32, #tpu.memory_space<hbm>> -> memref<1000000x128xf32, #tpu.memory_space<hbm>>
    tpu.enqueue_indirect_dma source(%dma_start3A_99 : memref<1000000x128xf32, #tpu.memory_space<hbm>>) target(%dma_start3A_93 : memref<64x128xf32, #tpu.memory_space<vmem>>) offsets(%dma_start3A_96 : memref<64xi32, #tpu.memory_space<vmem>>) semaphore(%arg9 : memref<!tpu.dma_semaphore, #tpu.memory_space<semaphore_mem>>)
    %dma_start3A_100 = arith.constant 0 : i32
    %dma_start3A_101 = arith.constant 3 : i32
    %dma_start3A_102 = arith.constant 1 : i32
    %dma_start3A_103 = arith.constant 3 : i32
    %dma_start3A_104 = arith.constant 0 : i32
    %dma_start3A_105 = arith.constant 0 : i32
    %dma_start3A_106 = tpu.memref_slice %arg6[%dma_start3A_102, %dma_start3A_103, %dma_start3A_104, %dma_start3A_105] : memref<2x4x64x128xf32, #tpu.memory_space<vmem>> -> memref<1x1x64x128xf32, #tpu.memory_space<vmem>>
    %dma_start3A_107 = tpu.memref_squeeze %dma_start3A_106 : memref<1x1x64x128xf32, #tpu.memory_space<vmem>> -> memref<64x128xf32, #tpu.memory_space<vmem>>
    %dma_start3A_108 = arith.constant 64 : i32
    %dma_start3A_109 = tpu.memref_slice %arg5[%dma_start3A_100, %dma_start3A_101, %dma_start3A_108] : memref<25x8x128xi32, #tpu.memory_space<vmem>> -> memref<1x1x64xi32, #tpu.memory_space<vmem>>
    %dma_start3A_110 = tpu.memref_squeeze %dma_start3A_109 : memref<1x1x64xi32, #tpu.memory_space<vmem>> -> memref<64xi32, #tpu.memory_space<vmem>>
    %dma_start3A_111 = arith.constant 0 : i32
    %dma_start3A_112 = arith.constant 0 : i32
    %dma_start3A_113 = tpu.memref_slice %arg3[%dma_start3A_111, %dma_start3A_112] : memref<1000000x128xf32, #tpu.memory_space<hbm>> -> memref<1000000x128xf32, #tpu.memory_space<hbm>>
    tpu.enqueue_indirect_dma source(%dma_start3A_113 : memref<1000000x128xf32, #tpu.memory_space<hbm>>) target(%dma_start3A_107 : memref<64x128xf32, #tpu.memory_space<vmem>>) offsets(%dma_start3A_110 : memref<64xi32, #tpu.memory_space<vmem>>) semaphore(%arg9 : memref<!tpu.dma_semaphore, #tpu.memory_space<semaphore_mem>>)
    %iota3A = tpu.iota {dimensions = array<i32: 0>} : vector<16xi32>
    %add3A_114 = arith.constant 0 : i32
    %add3A_115 = vector.broadcast %add3A_114 : i32 to vector<16xi32>
    %add3A_116 = arith.addi %iota3A, %add3A_115 : vector<16xi32>
    %shift_right_arithmetic3A = arith.constant 3 : i32
    %shift_right_arithmetic3A_117 = vector.broadcast %shift_right_arithmetic3A : i32 to vector<16xi32>
    %shift_right_arithmetic3A_118 = arith.shrsi %add3A_116, %shift_right_arithmetic3A_117 : vector<16xi32>
    %add3A_119 = arith.constant 16 : i32
    %add3A_120 = vector.broadcast %add3A_119 : i32 to vector<16xi32>
    %add3A_121 = arith.addi %iota3A, %add3A_120 : vector<16xi32>
    %shift_right_arithmetic3A_122 = arith.constant 3 : i32
    %shift_right_arithmetic3A_123 = vector.broadcast %shift_right_arithmetic3A_122 : i32 to vector<16xi32>
    %shift_right_arithmetic3A_124 = arith.shrsi %add3A_121, %shift_right_arithmetic3A_123 : vector<16xi32>
    %add3A_125 = arith.constant 32 : i32
    %add3A_126 = vector.broadcast %add3A_125 : i32 to vector<16xi32>
    %add3A_127 = arith.addi %iota3A, %add3A_126 : vector<16xi32>
    %shift_right_arithmetic3A_128 = arith.constant 3 : i32
    %shift_right_arithmetic3A_129 = vector.broadcast %shift_right_arithmetic3A_128 : i32 to vector<16xi32>
    %shift_right_arithmetic3A_130 = arith.shrsi %add3A_127, %shift_right_arithmetic3A_129 : vector<16xi32>
    %add3A_131 = arith.constant 48 : i32
    %add3A_132 = vector.broadcast %add3A_131 : i32 to vector<16xi32>
    %add3A_133 = arith.addi %iota3A, %add3A_132 : vector<16xi32>
    %shift_right_arithmetic3A_134 = arith.constant 3 : i32
    %shift_right_arithmetic3A_135 = vector.broadcast %shift_right_arithmetic3A_134 : i32 to vector<16xi32>
    %shift_right_arithmetic3A_136 = arith.shrsi %add3A_133, %shift_right_arithmetic3A_135 : vector<16xi32>
    %add3A_137 = arith.constant 0 : i32
    %add3A_138 = vector.broadcast %add3A_137 : i32 to vector<16xi32>
    %add3A_139 = arith.addi %iota3A, %add3A_138 : vector<16xi32>
    %and3A = arith.constant 7 : i32
    %and3A_140 = vector.broadcast %and3A : i32 to vector<16xi32>
    %and3A_141 = arith.andi %add3A_139, %and3A_140 : vector<16xi32>
    %add3A_142 = arith.constant 16 : i32
    %add3A_143 = vector.broadcast %add3A_142 : i32 to vector<16xi32>
    %add3A_144 = arith.addi %iota3A, %add3A_143 : vector<16xi32>
    %and3A_145 = arith.constant 7 : i32
    %and3A_146 = vector.broadcast %and3A_145 : i32 to vector<16xi32>
    %and3A_147 = arith.andi %add3A_144, %and3A_146 : vector<16xi32>
    %add3A_148 = arith.constant 32 : i32
    %add3A_149 = vector.broadcast %add3A_148 : i32 to vector<16xi32>
    %add3A_150 = arith.addi %iota3A, %add3A_149 : vector<16xi32>
    %and3A_151 = arith.constant 7 : i32
    %and3A_152 = vector.broadcast %and3A_151 : i32 to vector<16xi32>
    %and3A_153 = arith.andi %add3A_150, %and3A_152 : vector<16xi32>
    %add3A_154 = arith.constant 48 : i32
    %add3A_155 = vector.broadcast %add3A_154 : i32 to vector<16xi32>
    %add3A_156 = arith.addi %iota3A, %add3A_155 : vector<16xi32>
    %and3A_157 = arith.constant 7 : i32
    %and3A_158 = vector.broadcast %and3A_157 : i32 to vector<16xi32>
    %and3A_159 = arith.andi %add3A_156, %and3A_158 : vector<16xi32>
    %scan3A = arith.constant 0 : i32
    %scan3A_160 = arith.constant 0 : i32
    %scan3A_161 = arith.constant 50 : i32
    %scan3A_162 = arith.addi %scan3A_160, %scan3A_161 : i32
    %scan3A_163 = arith.constant 1 : i32
    scf.for %scan3A_293 = %scan3A_160 to %scan3A_162 step %scan3A_163  : i32 {
      %mul3A_294 = arith.constant 2 : i32
      %mul3A_295 = arith.muli %scan3A_293, %mul3A_294 : i32
      %add3A_296 = arith.constant 0 : i32
      %add3A_297 = arith.addi %mul3A_295, %add3A_296 : i32
      %and3A_298 = arith.constant 1 : i32
      %and3A_299 = arith.andi %add3A_297, %and3A_298 : i32
      %shift_right_arithmetic3A_300 = arith.constant 1 : i32
      %shift_right_arithmetic3A_301 = arith.shrsi %add3A_297, %shift_right_arithmetic3A_300 : i32
      %shift_right_arithmetic3A_302 = arith.constant 1 : i32
      %shift_right_arithmetic3A_303 = arith.shrsi %shift_right_arithmetic3A_301, %shift_right_arithmetic3A_302 : i32
      %and3A_304 = arith.constant 1 : i32
      %and3A_305 = arith.andi %shift_right_arithmetic3A_301, %and3A_304 : i32
      %shift_left3A = arith.constant 2 : i32
      %shift_left3A_306 = arith.shli %and3A_305, %shift_left3A : i32
      %add3A_307 = arith.constant 0 : i32
      %add3A_308 = arith.addi %shift_left3A_306, %add3A_307 : i32
      %mul3A_309 = arith.constant 64 : i32
      %mul3A_310 = arith.muli %and3A_299, %mul3A_309 : i32
      %dma_wait3A_311 = arith.constant 0 : i32
      %dma_wait3A_312 = arith.constant 0 : i32
      %dma_wait3A_313 = arith.constant 0 : i32
      %dma_wait3A_314 = arith.constant 0 : i32
      %dma_wait3A_315 = tpu.memref_slice %arg6[%dma_wait3A_311, %dma_wait3A_312, %dma_wait3A_313, %dma_wait3A_314] : memref<2x4x64x128xf32, #tpu.memory_space<vmem>> -> memref<1x1x64x128xf32, #tpu.memory_space<vmem>>
      %dma_wait3A_316 = tpu.memref_squeeze %dma_wait3A_315 : memref<1x1x64x128xf32, #tpu.memory_space<vmem>> -> memref<64x128xf32, #tpu.memory_space<vmem>>
      %dma_wait3A_317 = tpu.memref_slice %arg5[%shift_right_arithmetic3A_303, %add3A_308, %mul3A_310] : memref<25x8x128xi32, #tpu.memory_space<vmem>> -> memref<1x1x64xi32, #tpu.memory_space<vmem>>
      %dma_wait3A_318 = tpu.memref_squeeze %dma_wait3A_317 : memref<1x1x64xi32, #tpu.memory_space<vmem>> -> memref<64xi32, #tpu.memory_space<vmem>>
      %dma_wait3A_319 = arith.constant 0 : i32
      %dma_wait3A_320 = arith.constant 0 : i32
      %dma_wait3A_321 = tpu.memref_slice %arg3[%dma_wait3A_319, %dma_wait3A_320] : memref<1000000x128xf32, #tpu.memory_space<hbm>> -> memref<1000000x128xf32, #tpu.memory_space<hbm>>
      tpu.wait_indirect_dma semaphore(%arg8 : memref<!tpu.dma_semaphore, #tpu.memory_space<semaphore_mem>>) src(%dma_wait3A_321 : memref<1000000x128xf32, #tpu.memory_space<hbm>>) dst(%dma_wait3A_316 : memref<64x128xf32, #tpu.memory_space<vmem>>)
      %and3A_322 = arith.constant 1 : i32
      %and3A_323 = arith.andi %add3A_297, %and3A_322 : i32
      %shift_right_arithmetic3A_324 = arith.constant 1 : i32
      %shift_right_arithmetic3A_325 = arith.shrsi %add3A_297, %shift_right_arithmetic3A_324 : i32
      %shift_right_arithmetic3A_326 = arith.constant 1 : i32
      %shift_right_arithmetic3A_327 = arith.shrsi %shift_right_arithmetic3A_325, %shift_right_arithmetic3A_326 : i32
      %and3A_328 = arith.constant 1 : i32
      %and3A_329 = arith.andi %shift_right_arithmetic3A_325, %and3A_328 : i32
      %shift_left3A_330 = arith.constant 2 : i32
      %shift_left3A_331 = arith.shli %and3A_329, %shift_left3A_330 : i32
      %add3A_332 = arith.constant 1 : i32
      %add3A_333 = arith.addi %shift_left3A_331, %add3A_332 : i32
      %mul3A_334 = arith.constant 64 : i32
      %mul3A_335 = arith.muli %and3A_323, %mul3A_334 : i32
      %dma_wait3A_336 = arith.constant 0 : i32
      %dma_wait3A_337 = arith.constant 1 : i32
      %dma_wait3A_338 = arith.constant 0 : i32
      %dma_wait3A_339 = arith.constant 0 : i32
      %dma_wait3A_340 = tpu.memref_slice %arg6[%dma_wait3A_336, %dma_wait3A_337, %dma_wait3A_338, %dma_wait3A_339] : memref<2x4x64x128xf32, #tpu.memory_space<vmem>> -> memref<1x1x64x128xf32, #tpu.memory_space<vmem>>
      %dma_wait3A_341 = tpu.memref_squeeze %dma_wait3A_340 : memref<1x1x64x128xf32, #tpu.memory_space<vmem>> -> memref<64x128xf32, #tpu.memory_space<vmem>>
      %dma_wait3A_342 = tpu.memref_slice %arg5[%shift_right_arithmetic3A_327, %add3A_333, %mul3A_335] : memref<25x8x128xi32, #tpu.memory_space<vmem>> -> memref<1x1x64xi32, #tpu.memory_space<vmem>>
      %dma_wait3A_343 = tpu.memref_squeeze %dma_wait3A_342 : memref<1x1x64xi32, #tpu.memory_space<vmem>> -> memref<64xi32, #tpu.memory_space<vmem>>
      %dma_wait3A_344 = arith.constant 0 : i32
      %dma_wait3A_345 = arith.constant 0 : i32
      %dma_wait3A_346 = tpu.memref_slice %arg3[%dma_wait3A_344, %dma_wait3A_345] : memref<1000000x128xf32, #tpu.memory_space<hbm>> -> memref<1000000x128xf32, #tpu.memory_space<hbm>>
      tpu.wait_indirect_dma semaphore(%arg8 : memref<!tpu.dma_semaphore, #tpu.memory_space<semaphore_mem>>) src(%dma_wait3A_346 : memref<1000000x128xf32, #tpu.memory_space<hbm>>) dst(%dma_wait3A_341 : memref<64x128xf32, #tpu.memory_space<vmem>>)
      %and3A_347 = arith.constant 1 : i32
      %and3A_348 = arith.andi %add3A_297, %and3A_347 : i32
      %shift_right_arithmetic3A_349 = arith.constant 1 : i32
      %shift_right_arithmetic3A_350 = arith.shrsi %add3A_297, %shift_right_arithmetic3A_349 : i32
      %shift_right_arithmetic3A_351 = arith.constant 1 : i32
      %shift_right_arithmetic3A_352 = arith.shrsi %shift_right_arithmetic3A_350, %shift_right_arithmetic3A_351 : i32
      %and3A_353 = arith.constant 1 : i32
      %and3A_354 = arith.andi %shift_right_arithmetic3A_350, %and3A_353 : i32
      %shift_left3A_355 = arith.constant 2 : i32
      %shift_left3A_356 = arith.shli %and3A_354, %shift_left3A_355 : i32
      %add3A_357 = arith.constant 2 : i32
      %add3A_358 = arith.addi %shift_left3A_356, %add3A_357 : i32
      %mul3A_359 = arith.constant 64 : i32
      %mul3A_360 = arith.muli %and3A_348, %mul3A_359 : i32
      %dma_wait3A_361 = arith.constant 0 : i32
      %dma_wait3A_362 = arith.constant 2 : i32
      %dma_wait3A_363 = arith.constant 0 : i32
      %dma_wait3A_364 = arith.constant 0 : i32
      %dma_wait3A_365 = tpu.memref_slice %arg6[%dma_wait3A_361, %dma_wait3A_362, %dma_wait3A_363, %dma_wait3A_364] : memref<2x4x64x128xf32, #tpu.memory_space<vmem>> -> memref<1x1x64x128xf32, #tpu.memory_space<vmem>>
      %dma_wait3A_366 = tpu.memref_squeeze %dma_wait3A_365 : memref<1x1x64x128xf32, #tpu.memory_space<vmem>> -> memref<64x128xf32, #tpu.memory_space<vmem>>
      %dma_wait3A_367 = tpu.memref_slice %arg5[%shift_right_arithmetic3A_352, %add3A_358, %mul3A_360] : memref<25x8x128xi32, #tpu.memory_space<vmem>> -> memref<1x1x64xi32, #tpu.memory_space<vmem>>
      %dma_wait3A_368 = tpu.memref_squeeze %dma_wait3A_367 : memref<1x1x64xi32, #tpu.memory_space<vmem>> -> memref<64xi32, #tpu.memory_space<vmem>>
      %dma_wait3A_369 = arith.constant 0 : i32
      %dma_wait3A_370 = arith.constant 0 : i32
      %dma_wait3A_371 = tpu.memref_slice %arg3[%dma_wait3A_369, %dma_wait3A_370] : memref<1000000x128xf32, #tpu.memory_space<hbm>> -> memref<1000000x128xf32, #tpu.memory_space<hbm>>
      tpu.wait_indirect_dma semaphore(%arg8 : memref<!tpu.dma_semaphore, #tpu.memory_space<semaphore_mem>>) src(%dma_wait3A_371 : memref<1000000x128xf32, #tpu.memory_space<hbm>>) dst(%dma_wait3A_366 : memref<64x128xf32, #tpu.memory_space<vmem>>)
      %and3A_372 = arith.constant 1 : i32
      %and3A_373 = arith.andi %add3A_297, %and3A_372 : i32
      %shift_right_arithmetic3A_374 = arith.constant 1 : i32
      %shift_right_arithmetic3A_375 = arith.shrsi %add3A_297, %shift_right_arithmetic3A_374 : i32
      %shift_right_arithmetic3A_376 = arith.constant 1 : i32
      %shift_right_arithmetic3A_377 = arith.shrsi %shift_right_arithmetic3A_375, %shift_right_arithmetic3A_376 : i32
      %and3A_378 = arith.constant 1 : i32
      %and3A_379 = arith.andi %shift_right_arithmetic3A_375, %and3A_378 : i32
      %shift_left3A_380 = arith.constant 2 : i32
      %shift_left3A_381 = arith.shli %and3A_379, %shift_left3A_380 : i32
      %add3A_382 = arith.constant 3 : i32
      %add3A_383 = arith.addi %shift_left3A_381, %add3A_382 : i32
      %mul3A_384 = arith.constant 64 : i32
      %mul3A_385 = arith.muli %and3A_373, %mul3A_384 : i32
      %dma_wait3A_386 = arith.constant 0 : i32
      %dma_wait3A_387 = arith.constant 3 : i32
      %dma_wait3A_388 = arith.constant 0 : i32
      %dma_wait3A_389 = arith.constant 0 : i32
      %dma_wait3A_390 = tpu.memref_slice %arg6[%dma_wait3A_386, %dma_wait3A_387, %dma_wait3A_388, %dma_wait3A_389] : memref<2x4x64x128xf32, #tpu.memory_space<vmem>> -> memref<1x1x64x128xf32, #tpu.memory_space<vmem>>
      %dma_wait3A_391 = tpu.memref_squeeze %dma_wait3A_390 : memref<1x1x64x128xf32, #tpu.memory_space<vmem>> -> memref<64x128xf32, #tpu.memory_space<vmem>>
      %dma_wait3A_392 = tpu.memref_slice %arg5[%shift_right_arithmetic3A_377, %add3A_383, %mul3A_385] : memref<25x8x128xi32, #tpu.memory_space<vmem>> -> memref<1x1x64xi32, #tpu.memory_space<vmem>>
      %dma_wait3A_393 = tpu.memref_squeeze %dma_wait3A_392 : memref<1x1x64xi32, #tpu.memory_space<vmem>> -> memref<64xi32, #tpu.memory_space<vmem>>
      %dma_wait3A_394 = arith.constant 0 : i32
      %dma_wait3A_395 = arith.constant 0 : i32
      %dma_wait3A_396 = tpu.memref_slice %arg3[%dma_wait3A_394, %dma_wait3A_395] : memref<1000000x128xf32, #tpu.memory_space<hbm>> -> memref<1000000x128xf32, #tpu.memory_space<hbm>>
      tpu.wait_indirect_dma semaphore(%arg8 : memref<!tpu.dma_semaphore, #tpu.memory_space<semaphore_mem>>) src(%dma_wait3A_396 : memref<1000000x128xf32, #tpu.memory_space<hbm>>) dst(%dma_wait3A_391 : memref<64x128xf32, #tpu.memory_space<vmem>>)
      %gt3A = arith.constant 0 : i32
      %gt3A_397 = arith.cmpi sgt, %scan3A_293, %gt3A : i32
      %convert_element_type3A = arith.extui %gt3A_397 : i1 to i32
      %cond3A = arith.constant 0 : i32
      %cond3A_398 = arith.cmpi ne, %convert_element_type3A, %cond3A : i32
      scf.if %cond3A_398 {
        %sub3A_670 = arith.constant 2 : i32
        %sub3A_671 = arith.subi %add3A_297, %sub3A_670 : i32
        %mul3A_672 = arith.constant 100 : i32
        %mul3A_673 = arith.muli %add3A, %mul3A_672 : i32
        %add3A_674 = arith.addi %mul3A_673, %sub3A_671 : i32
        %jit3A_675 = arith.constant 64 : i32
        %div3A_676 = arith.divsi %add3A_674, %jit3A_675 : i32
        %sign3A_677 = arith.constant 0 : i32
        %sign3A_678 = arith.cmpi sgt, %add3A_674, %sign3A_677 : i32
        %sign3A_679 = arith.extui %sign3A_678 : i1 to i32
        %sign3A_680 = arith.constant 0 : i32
        %sign3A_681 = arith.cmpi slt, %add3A_674, %sign3A_680 : i32
        %sign3A_682 = arith.extui %sign3A_681 : i1 to i32
        %sign3A_683 = arith.subi %sign3A_679, %sign3A_682 : i32
        %sign3A_684 = arith.constant 0 : i32
        %sign3A_685 = arith.cmpi sgt, %jit3A_675, %sign3A_684 : i32
        %sign3A_686 = arith.extui %sign3A_685 : i1 to i32
        %sign3A_687 = arith.constant 0 : i32
        %sign3A_688 = arith.cmpi slt, %jit3A_675, %sign3A_687 : i32
        %sign3A_689 = arith.extui %sign3A_688 : i1 to i32
        %sign3A_690 = arith.subi %sign3A_686, %sign3A_689 : i32
        %ne3A_691 = arith.cmpi ne, %sign3A_683, %sign3A_690 : i32
        %rem3A_692 = arith.remsi %add3A_674, %jit3A_675 : i32
        %ne3A_693 = arith.constant 0 : i32
        %ne3A_694 = arith.cmpi ne, %rem3A_692, %ne3A_693 : i32
        %and3A_695 = arith.andi %ne3A_691, %ne3A_694 : i1
        %sub3A_696 = arith.constant 1 : i32
        %sub3A_697 = arith.subi %div3A_676, %sub3A_696 : i32
        %select_n3A_698 = arith.select %and3A_695, %sub3A_697, %div3A_676 : i32
        %jit3A_699 = arith.constant 64 : i32
        %eq3A_700 = arith.constant 0 : i32
        %eq3A_701 = arith.cmpi eq, %jit3A_699, %eq3A_700 : i32
        %jit3A_702 = arith.constant 1 : i32
        %select_n3A_703 = arith.select %eq3A_701, %jit3A_702, %jit3A_699 : i32
        %rem3A_704 = arith.remsi %add3A_674, %select_n3A_703 : i32
        %ne3A_705 = arith.constant 0 : i32
        %ne3A_706 = arith.cmpi ne, %rem3A_704, %ne3A_705 : i32
        %lt3A_707 = arith.constant 0 : i32
        %lt3A_708 = arith.cmpi slt, %rem3A_704, %lt3A_707 : i32
        %lt3A_709 = arith.constant 0 : i32
        %lt3A_710 = arith.cmpi slt, %select_n3A_703, %lt3A_709 : i32
        %ne3A_711 = arith.xori %lt3A_708, %lt3A_710 : i1
        %and3A_712 = arith.andi %ne3A_711, %ne3A_706 : i1
        %add3A_713 = arith.addi %rem3A_704, %select_n3A_703 : i32
        %select_n3A_714 = arith.select %and3A_712, %add3A_713, %rem3A_704 : i32
        %shift_right_arithmetic3A_715 = arith.constant 1 : i32
        %shift_right_arithmetic3A_716 = arith.shrsi %select_n3A_714, %shift_right_arithmetic3A_715 : i32
        %and3A_717 = arith.constant 1 : i32
        %and3A_718 = arith.andi %select_n3A_714, %and3A_717 : i32
        %mul3A_719 = arith.constant 64 : i32
        %mul3A_720 = arith.muli %and3A_718, %mul3A_719 : i32
        %dma_wait3A_721 = arith.constant 0 : i32
        %dma_wait3A_722 = arith.constant 0 : i32
        %dma_wait3A_723 = arith.constant 0 : i32
        %dma_wait3A_724 = arith.constant 0 : i32
        %dma_wait3A_725 = tpu.memref_slice %arg7[%dma_wait3A_721, %dma_wait3A_722, %dma_wait3A_723, %dma_wait3A_724] : memref<2x8x8x128xf32, #tpu.memory_space<vmem>> -> memref<1x8x8x64xf32, #tpu.memory_space<vmem>>
        %dma_wait3A_726 = tpu.memref_squeeze %dma_wait3A_725 : memref<1x8x8x64xf32, #tpu.memory_space<vmem>> -> memref<8x8x64xf32, #tpu.memory_space<vmem>>
        %dma_wait3A_727 = arith.constant 0 : i32
        %dma_wait3A_728 = arith.constant 0 : i32
        %dma_wait3A_729 = tpu.memref_slice %arg4[%select_n3A_698, %dma_wait3A_727, %shift_right_arithmetic3A_716, %dma_wait3A_728, %mul3A_720] : memref<50x8x32x8x128xf32, #tpu.memory_space<hbm>> -> memref<1x8x1x8x64xf32, #tpu.memory_space<hbm>>
        %dma_wait3A_730 = tpu.memref_squeeze %dma_wait3A_729 : memref<1x8x1x8x64xf32, #tpu.memory_space<hbm>> -> memref<8x8x64xf32, #tpu.memory_space<hbm>>
        %dma_wait3A_731 = arith.constant 0 : i32
        %dma_wait3A_732 = arith.constant 0 : i32
        %dma_wait3A_733 = tpu.memref_slice %arg4[%select_n3A_698, %dma_wait3A_731, %shift_right_arithmetic3A_716, %dma_wait3A_732, %mul3A_720] : memref<50x8x32x8x128xf32, #tpu.memory_space<hbm>> -> memref<1x8x1x8x64xf32, #tpu.memory_space<hbm>>
        %dma_wait3A_734 = tpu.memref_squeeze %dma_wait3A_733 : memref<1x8x1x8x64xf32, #tpu.memory_space<hbm>> -> memref<8x8x64xf32, #tpu.memory_space<hbm>>
        %dma_wait3A_735 = arith.constant 0 : i32
        %dma_wait3A_736 = arith.constant 0 : i32
        %dma_wait3A_737 = arith.constant 0 : i32
        %dma_wait3A_738 = tpu.memref_slice %arg7[%dma_wait3A_721, %dma_wait3A_735, %dma_wait3A_736, %dma_wait3A_737] : memref<2x8x8x128xf32, #tpu.memory_space<vmem>> -> memref<1x8x8x64xf32, #tpu.memory_space<vmem>>
        %dma_wait3A_739 = tpu.memref_squeeze %dma_wait3A_738 : memref<1x8x8x64xf32, #tpu.memory_space<vmem>> -> memref<8x8x64xf32, #tpu.memory_space<vmem>>
        tpu.wait_dma2 semaphore(%arg10 : memref<!tpu.dma_semaphore, #tpu.memory_space<semaphore_mem>>) src(%dma_wait3A_739 : memref<8x8x64xf32, #tpu.memory_space<vmem>>) dst(%dma_wait3A_734 : memref<8x8x64xf32, #tpu.memory_space<hbm>>)
      } else {
      }
      %scan3A_399 = arith.constant 0 : i32
      %scan3A_400 = arith.constant 0 : i32
      %scan3A_401 = arith.constant 32 : i32
      %scan3A_402 = arith.addi %scan3A_400, %scan3A_401 : i32
      %scan3A_403 = arith.constant 1 : i32
      scf.for %scan3A_670 = %scan3A_400 to %scan3A_402 step %scan3A_403  : i32 {
        %mul3A_671 = arith.constant 2 : i32
        %mul3A_672 = arith.muli %scan3A_670, %mul3A_671 : i32
        %add3A_673 = arith.constant 0 : i32
        %add3A_674 = arith.addi %mul3A_672, %add3A_673 : i32
        %broadcast_in_dim3A = arith.constant 0 : i32
        %broadcast_in_dim3A_675 = vector.broadcast %broadcast_in_dim3A : i32 to vector<16xi32>
        %add3A_676 = vector.broadcast %add3A_674 : i32 to vector<16xi32>
        %add3A_677 = arith.addi %broadcast_in_dim3A_675, %add3A_676 : vector<16xi32>
        %get3A = arith.constant 0 : i32
        %get3A_678 = arith.constant 0 : i32
        %get3A_679 = arith.index_cast %get3A : i32 to index
        %get3A_680 = arith.index_cast %get3A_678 : i32 to index
        %get3A_681 = arith.index_cast %add3A_674 : i32 to index
        %get3A_682 = arith.constant 0 : index
        %get3A_683 = tpu.vector_load %arg6[%get3A_679, %get3A_680, %get3A_681, %get3A_682] {strides = array<i32>} : memref<2x4x64x128xf32, #tpu.memory_space<vmem>>, vector<16xf32>,
        %get3A_684 = arith.constant 0 : i32
        %get3A_685 = arith.constant 1 : i32
        %get3A_686 = arith.index_cast %get3A_684 : i32 to index
        %get3A_687 = arith.index_cast %get3A_685 : i32 to index
        %get3A_688 = arith.index_cast %add3A_674 : i32 to index
        %get3A_689 = arith.constant 0 : index
        %get3A_690 = tpu.vector_load %arg6[%get3A_686, %get3A_687, %get3A_688, %get3A_689] {strides = array<i32>} : memref<2x4x64x128xf32, #tpu.memory_space<vmem>>, vector<16xf32>,
        %add3A_691 = arith.addf %get3A_683, %get3A_690 : vector<16xf32>
        %get3A_692 = arith.constant 0 : i32
        %get3A_693 = arith.constant 2 : i32
        %get3A_694 = arith.index_cast %get3A_692 : i32 to index
        %get3A_695 = arith.index_cast %get3A_693 : i32 to index
        %get3A_696 = arith.index_cast %add3A_674 : i32 to index
        %get3A_697 = arith.constant 0 : index
        %get3A_698 = tpu.vector_load %arg6[%get3A_694, %get3A_695, %get3A_696, %get3A_697] {strides = array<i32>} : memref<2x4x64x128xf32, #tpu.memory_space<vmem>>, vector<16xf32>,
        %add3A_699 = arith.addf %add3A_691, %get3A_698 : vector<16xf32>
        %get3A_700 = arith.constant 0 : i32
        %get3A_701 = arith.constant 3 : i32
        %get3A_702 = arith.index_cast %get3A_700 : i32 to index
        %get3A_703 = arith.index_cast %get3A_701 : i32 to index
        %get3A_704 = arith.index_cast %add3A_674 : i32 to index
        %get3A_705 = arith.constant 0 : index
        %get3A_706 = tpu.vector_load %arg6[%get3A_702, %get3A_703, %get3A_704, %get3A_705] {strides = array<i32>} : memref<2x4x64x128xf32, #tpu.memory_space<vmem>>, vector<16xf32>,
        %add3A_707 = arith.addf %add3A_699, %get3A_706 : vector<16xf32>
        %mul3A_708 = arith.constant 2.500000e-01 : f32
        %mul3A_709 = vector.broadcast %mul3A_708 : f32 to vector<16xf32>
        %mul3A_710 = arith.mulf %add3A_707, %mul3A_709 : vector<16xf32>
        %scatter3A = arith.constant 0 : i32
        %scatter3A_711 = arith.constant 0 : i32
        %scatter3A_712 = arith.constant 0 : i32
        %scatter3A_713 = arith.constant 0 : i32
        %scatter3A_714 = tpu.memref_slice %arg7[%scatter3A, %scatter3A_711, %scatter3A_712, %scatter3A_713] : memref<2x8x8x128xf32, #tpu.memory_space<vmem>> -> memref<1x8x8x128xf32, #tpu.memory_space<vmem>>
        %scatter3A_715 = tpu.memref_squeeze %scatter3A_714 : memref<1x8x8x128xf32, #tpu.memory_space<vmem>> -> memref<8x8x128xf32, #tpu.memory_space<vmem>>
        tpu.vector_store_idx %scatter3A_715[%shift_right_arithmetic3A_118, %and3A_141, %add3A_677], %mul3A_710 : memref<8x8x128xf32, #tpu.memory_space<vmem>>[vector<16xi32>, vector<16xi32>, vector<16xi32>], vector<16xf32>,
        %get3A_716 = arith.constant 0 : i32
        %get3A_717 = arith.constant 0 : i32
        %get3A_718 = arith.index_cast %get3A_716 : i32 to index
        %get3A_719 = arith.index_cast %get3A_717 : i32 to index
        %get3A_720 = arith.index_cast %add3A_674 : i32 to index
        %get3A_721 = arith.constant 16 : index
        %get3A_722 = tpu.vector_load %arg6[%get3A_718, %get3A_719, %get3A_720, %get3A_721] {strides = array<i32>} : memref<2x4x64x128xf32, #tpu.memory_space<vmem>>, vector<16xf32>,
        %get3A_723 = arith.constant 0 : i32
        %get3A_724 = arith.constant 1 : i32
        %get3A_725 = arith.index_cast %get3A_723 : i32 to index
        %get3A_726 = arith.index_cast %get3A_724 : i32 to index
        %get3A_727 = arith.index_cast %add3A_674 : i32 to index
        %get3A_728 = arith.constant 16 : index
        %get3A_729 = tpu.vector_load %arg6[%get3A_725, %get3A_726, %get3A_727, %get3A_728] {strides = array<i32>} : memref<2x4x64x128xf32, #tpu.memory_space<vmem>>, vector<16xf32>,
        %add3A_730 = arith.addf %get3A_722, %get3A_729 : vector<16xf32>
        %get3A_731 = arith.constant 0 : i32
        %get3A_732 = arith.constant 2 : i32
        %get3A_733 = arith.index_cast %get3A_731 : i32 to index
        %get3A_734 = arith.index_cast %get3A_732 : i32 to index
        %get3A_735 = arith.index_cast %add3A_674 : i32 to index
        %get3A_736 = arith.constant 16 : index
        %get3A_737 = tpu.vector_load %arg6[%get3A_733, %get3A_734, %get3A_735, %get3A_736] {strides = array<i32>} : memref<2x4x64x128xf32, #tpu.memory_space<vmem>>, vector<16xf32>,
        %add3A_738 = arith.addf %add3A_730, %get3A_737 : vector<16xf32>
        %get3A_739 = arith.constant 0 : i32
        %get3A_740 = arith.constant 3 : i32
        %get3A_741 = arith.index_cast %get3A_739 : i32 to index
        %get3A_742 = arith.index_cast %get3A_740 : i32 to index
        %get3A_743 = arith.index_cast %add3A_674 : i32 to index
        %get3A_744 = arith.constant 16 : index
        %get3A_745 = tpu.vector_load %arg6[%get3A_741, %get3A_742, %get3A_743, %get3A_744] {strides = array<i32>} : memref<2x4x64x128xf32, #tpu.memory_space<vmem>>, vector<16xf32>,
        %add3A_746 = arith.addf %add3A_738, %get3A_745 : vector<16xf32>
        %mul3A_747 = arith.constant 2.500000e-01 : f32
        %mul3A_748 = vector.broadcast %mul3A_747 : f32 to vector<16xf32>
        %mul3A_749 = arith.mulf %add3A_746, %mul3A_748 : vector<16xf32>
        %scatter3A_750 = arith.constant 0 : i32
        %scatter3A_751 = arith.constant 0 : i32
        %scatter3A_752 = arith.constant 0 : i32
        %scatter3A_753 = arith.constant 0 : i32
        %scatter3A_754 = tpu.memref_slice %arg7[%scatter3A_750, %scatter3A_751, %scatter3A_752, %scatter3A_753] : memref<2x8x8x128xf32, #tpu.memory_space<vmem>> -> memref<1x8x8x128xf32, #tpu.memory_space<vmem>>
        %scatter3A_755 = tpu.memref_squeeze %scatter3A_754 : memref<1x8x8x128xf32, #tpu.memory_space<vmem>> -> memref<8x8x128xf32, #tpu.memory_space<vmem>>
        tpu.vector_store_idx %scatter3A_755[%shift_right_arithmetic3A_124, %and3A_147, %add3A_677], %mul3A_749 : memref<8x8x128xf32, #tpu.memory_space<vmem>>[vector<16xi32>, vector<16xi32>, vector<16xi32>], vector<16xf32>,
        %get3A_756 = arith.constant 0 : i32
        %get3A_757 = arith.constant 0 : i32
        %get3A_758 = arith.index_cast %get3A_756 : i32 to index
        %get3A_759 = arith.index_cast %get3A_757 : i32 to index
        %get3A_760 = arith.index_cast %add3A_674 : i32 to index
        %get3A_761 = arith.constant 32 : index
        %get3A_762 = tpu.vector_load %arg6[%get3A_758, %get3A_759, %get3A_760, %get3A_761] {strides = array<i32>} : memref<2x4x64x128xf32, #tpu.memory_space<vmem>>, vector<16xf32>,
        %get3A_763 = arith.constant 0 : i32
        %get3A_764 = arith.constant 1 : i32
        %get3A_765 = arith.index_cast %get3A_763 : i32 to index
        %get3A_766 = arith.index_cast %get3A_764 : i32 to index
        %get3A_767 = arith.index_cast %add3A_674 : i32 to index
        %get3A_768 = arith.constant 32 : index
        %get3A_769 = tpu.vector_load %arg6[%get3A_765, %get3A_766, %get3A_767, %get3A_768] {strides = array<i32>} : memref<2x4x64x128xf32, #tpu.memory_space<vmem>>, vector<16xf32>,
        %add3A_770 = arith.addf %get3A_762, %get3A_769 : vector<16xf32>
        %get3A_771 = arith.constant 0 : i32
        %get3A_772 = arith.constant 2 : i32
        %get3A_773 = arith.index_cast %get3A_771 : i32 to index
        %get3A_774 = arith.index_cast %get3A_772 : i32 to index
        %get3A_775 = arith.index_cast %add3A_674 : i32 to index
        %get3A_776 = arith.constant 32 : index
        %get3A_777 = tpu.vector_load %arg6[%get3A_773, %get3A_774, %get3A_775, %get3A_776] {strides = array<i32>} : memref<2x4x64x128xf32, #tpu.memory_space<vmem>>, vector<16xf32>,
        %add3A_778 = arith.addf %add3A_770, %get3A_777 : vector<16xf32>
        %get3A_779 = arith.constant 0 : i32
        %get3A_780 = arith.constant 3 : i32
        %get3A_781 = arith.index_cast %get3A_779 : i32 to index
        %get3A_782 = arith.index_cast %get3A_780 : i32 to index
        %get3A_783 = arith.index_cast %add3A_674 : i32 to index
        %get3A_784 = arith.constant 32 : index
        %get3A_785 = tpu.vector_load %arg6[%get3A_781, %get3A_782, %get3A_783, %get3A_784] {strides = array<i32>} : memref<2x4x64x128xf32, #tpu.memory_space<vmem>>, vector<16xf32>,
        %add3A_786 = arith.addf %add3A_778, %get3A_785 : vector<16xf32>
        %mul3A_787 = arith.constant 2.500000e-01 : f32
        %mul3A_788 = vector.broadcast %mul3A_787 : f32 to vector<16xf32>
        %mul3A_789 = arith.mulf %add3A_786, %mul3A_788 : vector<16xf32>
        %scatter3A_790 = arith.constant 0 : i32
        %scatter3A_791 = arith.constant 0 : i32
        %scatter3A_792 = arith.constant 0 : i32
        %scatter3A_793 = arith.constant 0 : i32
        %scatter3A_794 = tpu.memref_slice %arg7[%scatter3A_790, %scatter3A_791, %scatter3A_792, %scatter3A_793] : memref<2x8x8x128xf32, #tpu.memory_space<vmem>> -> memref<1x8x8x128xf32, #tpu.memory_space<vmem>>
        %scatter3A_795 = tpu.memref_squeeze %scatter3A_794 : memref<1x8x8x128xf32, #tpu.memory_space<vmem>> -> memref<8x8x128xf32, #tpu.memory_space<vmem>>
        tpu.vector_store_idx %scatter3A_795[%shift_right_arithmetic3A_130, %and3A_153, %add3A_677], %mul3A_789 : memref<8x8x128xf32, #tpu.memory_space<vmem>>[vector<16xi32>, vector<16xi32>, vector<16xi32>], vector<16xf32>,
        %get3A_796 = arith.constant 0 : i32
        %get3A_797 = arith.constant 0 : i32
        %get3A_798 = arith.index_cast %get3A_796 : i32 to index
        %get3A_799 = arith.index_cast %get3A_797 : i32 to index
        %get3A_800 = arith.index_cast %add3A_674 : i32 to index
        %get3A_801 = arith.constant 48 : index
        %get3A_802 = tpu.vector_load %arg6[%get3A_798, %get3A_799, %get3A_800, %get3A_801] {strides = array<i32>} : memref<2x4x64x128xf32, #tpu.memory_space<vmem>>, vector<16xf32>,
        %get3A_803 = arith.constant 0 : i32
        %get3A_804 = arith.constant 1 : i32
        %get3A_805 = arith.index_cast %get3A_803 : i32 to index
        %get3A_806 = arith.index_cast %get3A_804 : i32 to index
        %get3A_807 = arith.index_cast %add3A_674 : i32 to index
        %get3A_808 = arith.constant 48 : index
        %get3A_809 = tpu.vector_load %arg6[%get3A_805, %get3A_806, %get3A_807, %get3A_808] {strides = array<i32>} : memref<2x4x64x128xf32, #tpu.memory_space<vmem>>, vector<16xf32>,
        %add3A_810 = arith.addf %get3A_802, %get3A_809 : vector<16xf32>
        %get3A_811 = arith.constant 0 : i32
        %get3A_812 = arith.constant 2 : i32
        %get3A_813 = arith.index_cast %get3A_811 : i32 to index
        %get3A_814 = arith.index_cast %get3A_812 : i32 to index
        %get3A_815 = arith.index_cast %add3A_674 : i32 to index
        %get3A_816 = arith.constant 48 : index
        %get3A_817 = tpu.vector_load %arg6[%get3A_813, %get3A_814, %get3A_815, %get3A_816] {strides = array<i32>} : memref<2x4x64x128xf32, #tpu.memory_space<vmem>>, vector<16xf32>,
        %add3A_818 = arith.addf %add3A_810, %get3A_817 : vector<16xf32>
        %get3A_819 = arith.constant 0 : i32
        %get3A_820 = arith.constant 3 : i32
        %get3A_821 = arith.index_cast %get3A_819 : i32 to index
        %get3A_822 = arith.index_cast %get3A_820 : i32 to index
        %get3A_823 = arith.index_cast %add3A_674 : i32 to index
        %get3A_824 = arith.constant 48 : index
        %get3A_825 = tpu.vector_load %arg6[%get3A_821, %get3A_822, %get3A_823, %get3A_824] {strides = array<i32>} : memref<2x4x64x128xf32, #tpu.memory_space<vmem>>, vector<16xf32>,
        %add3A_826 = arith.addf %add3A_818, %get3A_825 : vector<16xf32>
        %mul3A_827 = arith.constant 2.500000e-01 : f32
        %mul3A_828 = vector.broadcast %mul3A_827 : f32 to vector<16xf32>
        %mul3A_829 = arith.mulf %add3A_826, %mul3A_828 : vector<16xf32>
        %scatter3A_830 = arith.constant 0 : i32
        %scatter3A_831 = arith.constant 0 : i32
        %scatter3A_832 = arith.constant 0 : i32
        %scatter3A_833 = arith.constant 0 : i32
        %scatter3A_834 = tpu.memref_slice %arg7[%scatter3A_830, %scatter3A_831, %scatter3A_832, %scatter3A_833] : memref<2x8x8x128xf32, #tpu.memory_space<vmem>> -> memref<1x8x8x128xf32, #tpu.memory_space<vmem>>
        %scatter3A_835 = tpu.memref_squeeze %scatter3A_834 : memref<1x8x8x128xf32, #tpu.memory_space<vmem>> -> memref<8x8x128xf32, #tpu.memory_space<vmem>>
        tpu.vector_store_idx %scatter3A_835[%shift_right_arithmetic3A_136, %and3A_159, %add3A_677], %mul3A_829 : memref<8x8x128xf32, #tpu.memory_space<vmem>>[vector<16xi32>, vector<16xi32>, vector<16xi32>], vector<16xf32>,
        %mul3A_836 = arith.constant 2 : i32
        %mul3A_837 = arith.muli %scan3A_670, %mul3A_836 : i32
        %add3A_838 = arith.constant 1 : i32
        %add3A_839 = arith.addi %mul3A_837, %add3A_838 : i32
        %broadcast_in_dim3A_840 = arith.constant 0 : i32
        %broadcast_in_dim3A_841 = vector.broadcast %broadcast_in_dim3A_840 : i32 to vector<16xi32>
        %add3A_842 = vector.broadcast %add3A_839 : i32 to vector<16xi32>
        %add3A_843 = arith.addi %broadcast_in_dim3A_841, %add3A_842 : vector<16xi32>
        %get3A_844 = arith.constant 0 : i32
        %get3A_845 = arith.constant 0 : i32
        %get3A_846 = arith.index_cast %get3A_844 : i32 to index
        %get3A_847 = arith.index_cast %get3A_845 : i32 to index
        %get3A_848 = arith.index_cast %add3A_839 : i32 to index
        %get3A_849 = arith.constant 0 : index
        %get3A_850 = tpu.vector_load %arg6[%get3A_846, %get3A_847, %get3A_848, %get3A_849] {strides = array<i32>} : memref<2x4x64x128xf32, #tpu.memory_space<vmem>>, vector<16xf32>,
        %get3A_851 = arith.constant 0 : i32
        %get3A_852 = arith.constant 1 : i32
        %get3A_853 = arith.index_cast %get3A_851 : i32 to index
        %get3A_854 = arith.index_cast %get3A_852 : i32 to index
        %get3A_855 = arith.index_cast %add3A_839 : i32 to index
        %get3A_856 = arith.constant 0 : index
        %get3A_857 = tpu.vector_load %arg6[%get3A_853, %get3A_854, %get3A_855, %get3A_856] {strides = array<i32>} : memref<2x4x64x128xf32, #tpu.memory_space<vmem>>, vector<16xf32>,
        %add3A_858 = arith.addf %get3A_850, %get3A_857 : vector<16xf32>
        %get3A_859 = arith.constant 0 : i32
        %get3A_860 = arith.constant 2 : i32
        %get3A_861 = arith.index_cast %get3A_859 : i32 to index
        %get3A_862 = arith.index_cast %get3A_860 : i32 to index
        %get3A_863 = arith.index_cast %add3A_839 : i32 to index
        %get3A_864 = arith.constant 0 : index
        %get3A_865 = tpu.vector_load %arg6[%get3A_861, %get3A_862, %get3A_863, %get3A_864] {strides = array<i32>} : memref<2x4x64x128xf32, #tpu.memory_space<vmem>>, vector<16xf32>,
        %add3A_866 = arith.addf %add3A_858, %get3A_865 : vector<16xf32>
        %get3A_867 = arith.constant 0 : i32
        %get3A_868 = arith.constant 3 : i32
        %get3A_869 = arith.index_cast %get3A_867 : i32 to index
        %get3A_870 = arith.index_cast %get3A_868 : i32 to index
        %get3A_871 = arith.index_cast %add3A_839 : i32 to index
        %get3A_872 = arith.constant 0 : index
        %get3A_873 = tpu.vector_load %arg6[%get3A_869, %get3A_870, %get3A_871, %get3A_872] {strides = array<i32>} : memref<2x4x64x128xf32, #tpu.memory_space<vmem>>, vector<16xf32>,
        %add3A_874 = arith.addf %add3A_866, %get3A_873 : vector<16xf32>
        %mul3A_875 = arith.constant 2.500000e-01 : f32
        %mul3A_876 = vector.broadcast %mul3A_875 : f32 to vector<16xf32>
        %mul3A_877 = arith.mulf %add3A_874, %mul3A_876 : vector<16xf32>
        %scatter3A_878 = arith.constant 0 : i32
        %scatter3A_879 = arith.constant 0 : i32
        %scatter3A_880 = arith.constant 0 : i32
        %scatter3A_881 = arith.constant 0 : i32
        %scatter3A_882 = tpu.memref_slice %arg7[%scatter3A_878, %scatter3A_879, %scatter3A_880, %scatter3A_881] : memref<2x8x8x128xf32, #tpu.memory_space<vmem>> -> memref<1x8x8x128xf32, #tpu.memory_space<vmem>>
        %scatter3A_883 = tpu.memref_squeeze %scatter3A_882 : memref<1x8x8x128xf32, #tpu.memory_space<vmem>> -> memref<8x8x128xf32, #tpu.memory_space<vmem>>
        tpu.vector_store_idx %scatter3A_883[%shift_right_arithmetic3A_118, %and3A_141, %add3A_843], %mul3A_877 : memref<8x8x128xf32, #tpu.memory_space<vmem>>[vector<16xi32>, vector<16xi32>, vector<16xi32>], vector<16xf32>,
        %get3A_884 = arith.constant 0 : i32
        %get3A_885 = arith.constant 0 : i32
        %get3A_886 = arith.index_cast %get3A_884 : i32 to index
        %get3A_887 = arith.index_cast %get3A_885 : i32 to index
        %get3A_888 = arith.index_cast %add3A_839 : i32 to index
        %get3A_889 = arith.constant 16 : index
        %get3A_890 = tpu.vector_load %arg6[%get3A_886, %get3A_887, %get3A_888, %get3A_889] {strides = array<i32>} : memref<2x4x64x128xf32, #tpu.memory_space<vmem>>, vector<16xf32>,
        %get3A_891 = arith.constant 0 : i32
        %get3A_892 = arith.constant 1 : i32
        %get3A_893 = arith.index_cast %get3A_891 : i32 to index
        %get3A_894 = arith.index_cast %get3A_892 : i32 to index
        %get3A_895 = arith.index_cast %add3A_839 : i32 to index
        %get3A_896 = arith.constant 16 : index
        %get3A_897 = tpu.vector_load %arg6[%get3A_893, %get3A_894, %get3A_895, %get3A_896] {strides = array<i32>} : memref<2x4x64x128xf32, #tpu.memory_space<vmem>>, vector<16xf32>,
        %add3A_898 = arith.addf %get3A_890, %get3A_897 : vector<16xf32>
        %get3A_899 = arith.constant 0 : i32
        %get3A_900 = arith.constant 2 : i32
        %get3A_901 = arith.index_cast %get3A_899 : i32 to index
        %get3A_902 = arith.index_cast %get3A_900 : i32 to index
        %get3A_903 = arith.index_cast %add3A_839 : i32 to index
        %get3A_904 = arith.constant 16 : index
        %get3A_905 = tpu.vector_load %arg6[%get3A_901, %get3A_902, %get3A_903, %get3A_904] {strides = array<i32>} : memref<2x4x64x128xf32, #tpu.memory_space<vmem>>, vector<16xf32>,
        %add3A_906 = arith.addf %add3A_898, %get3A_905 : vector<16xf32>
        %get3A_907 = arith.constant 0 : i32
        %get3A_908 = arith.constant 3 : i32
        %get3A_909 = arith.index_cast %get3A_907 : i32 to index
        %get3A_910 = arith.index_cast %get3A_908 : i32 to index
        %get3A_911 = arith.index_cast %add3A_839 : i32 to index
        %get3A_912 = arith.constant 16 : index
        %get3A_913 = tpu.vector_load %arg6[%get3A_909, %get3A_910, %get3A_911, %get3A_912] {strides = array<i32>} : memref<2x4x64x128xf32, #tpu.memory_space<vmem>>, vector<16xf32>,
        %add3A_914 = arith.addf %add3A_906, %get3A_913 : vector<16xf32>
        %mul3A_915 = arith.constant 2.500000e-01 : f32
        %mul3A_916 = vector.broadcast %mul3A_915 : f32 to vector<16xf32>
        %mul3A_917 = arith.mulf %add3A_914, %mul3A_916 : vector<16xf32>
        %scatter3A_918 = arith.constant 0 : i32
        %scatter3A_919 = arith.constant 0 : i32
        %scatter3A_920 = arith.constant 0 : i32
        %scatter3A_921 = arith.constant 0 : i32
        %scatter3A_922 = tpu.memref_slice %arg7[%scatter3A_918, %scatter3A_919, %scatter3A_920, %scatter3A_921] : memref<2x8x8x128xf32, #tpu.memory_space<vmem>> -> memref<1x8x8x128xf32, #tpu.memory_space<vmem>>
        %scatter3A_923 = tpu.memref_squeeze %scatter3A_922 : memref<1x8x8x128xf32, #tpu.memory_space<vmem>> -> memref<8x8x128xf32, #tpu.memory_space<vmem>>
        tpu.vector_store_idx %scatter3A_923[%shift_right_arithmetic3A_124, %and3A_147, %add3A_843], %mul3A_917 : memref<8x8x128xf32, #tpu.memory_space<vmem>>[vector<16xi32>, vector<16xi32>, vector<16xi32>], vector<16xf32>,
        %get3A_924 = arith.constant 0 : i32
        %get3A_925 = arith.constant 0 : i32
        %get3A_926 = arith.index_cast %get3A_924 : i32 to index
        %get3A_927 = arith.index_cast %get3A_925 : i32 to index
        %get3A_928 = arith.index_cast %add3A_839 : i32 to index
        %get3A_929 = arith.constant 32 : index
        %get3A_930 = tpu.vector_load %arg6[%get3A_926, %get3A_927, %get3A_928, %get3A_929] {strides = array<i32>} : memref<2x4x64x128xf32, #tpu.memory_space<vmem>>, vector<16xf32>,
        %get3A_931 = arith.constant 0 : i32
        %get3A_932 = arith.constant 1 : i32
        %get3A_933 = arith.index_cast %get3A_931 : i32 to index
        %get3A_934 = arith.index_cast %get3A_932 : i32 to index
        %get3A_935 = arith.index_cast %add3A_839 : i32 to index
        %get3A_936 = arith.constant 32 : index
        %get3A_937 = tpu.vector_load %arg6[%get3A_933, %get3A_934, %get3A_935, %get3A_936] {strides = array<i32>} : memref<2x4x64x128xf32, #tpu.memory_space<vmem>>, vector<16xf32>,
        %add3A_938 = arith.addf %get3A_930, %get3A_937 : vector<16xf32>
        %get3A_939 = arith.constant 0 : i32
        %get3A_940 = arith.constant 2 : i32
        %get3A_941 = arith.index_cast %get3A_939 : i32 to index
        %get3A_942 = arith.index_cast %get3A_940 : i32 to index
        %get3A_943 = arith.index_cast %add3A_839 : i32 to index
        %get3A_944 = arith.constant 32 : index
        %get3A_945 = tpu.vector_load %arg6[%get3A_941, %get3A_942, %get3A_943, %get3A_944] {strides = array<i32>} : memref<2x4x64x128xf32, #tpu.memory_space<vmem>>, vector<16xf32>,
        %add3A_946 = arith.addf %add3A_938, %get3A_945 : vector<16xf32>
        %get3A_947 = arith.constant 0 : i32
        %get3A_948 = arith.constant 3 : i32
        %get3A_949 = arith.index_cast %get3A_947 : i32 to index
        %get3A_950 = arith.index_cast %get3A_948 : i32 to index
        %get3A_951 = arith.index_cast %add3A_839 : i32 to index
        %get3A_952 = arith.constant 32 : index
        %get3A_953 = tpu.vector_load %arg6[%get3A_949, %get3A_950, %get3A_951, %get3A_952] {strides = array<i32>} : memref<2x4x64x128xf32, #tpu.memory_space<vmem>>, vector<16xf32>,
        %add3A_954 = arith.addf %add3A_946, %get3A_953 : vector<16xf32>
        %mul3A_955 = arith.constant 2.500000e-01 : f32
        %mul3A_956 = vector.broadcast %mul3A_955 : f32 to vector<16xf32>
        %mul3A_957 = arith.mulf %add3A_954, %mul3A_956 : vector<16xf32>
        %scatter3A_958 = arith.constant 0 : i32
        %scatter3A_959 = arith.constant 0 : i32
        %scatter3A_960 = arith.constant 0 : i32
        %scatter3A_961 = arith.constant 0 : i32
        %scatter3A_962 = tpu.memref_slice %arg7[%scatter3A_958, %scatter3A_959, %scatter3A_960, %scatter3A_961] : memref<2x8x8x128xf32, #tpu.memory_space<vmem>> -> memref<1x8x8x128xf32, #tpu.memory_space<vmem>>
        %scatter3A_963 = tpu.memref_squeeze %scatter3A_962 : memref<1x8x8x128xf32, #tpu.memory_space<vmem>> -> memref<8x8x128xf32, #tpu.memory_space<vmem>>
        tpu.vector_store_idx %scatter3A_963[%shift_right_arithmetic3A_130, %and3A_153, %add3A_843], %mul3A_957 : memref<8x8x128xf32, #tpu.memory_space<vmem>>[vector<16xi32>, vector<16xi32>, vector<16xi32>], vector<16xf32>,
        %get3A_964 = arith.constant 0 : i32
        %get3A_965 = arith.constant 0 : i32
        %get3A_966 = arith.index_cast %get3A_964 : i32 to index
        %get3A_967 = arith.index_cast %get3A_965 : i32 to index
        %get3A_968 = arith.index_cast %add3A_839 : i32 to index
        %get3A_969 = arith.constant 48 : index
        %get3A_970 = tpu.vector_load %arg6[%get3A_966, %get3A_967, %get3A_968, %get3A_969] {strides = array<i32>} : memref<2x4x64x128xf32, #tpu.memory_space<vmem>>, vector<16xf32>,
        %get3A_971 = arith.constant 0 : i32
        %get3A_972 = arith.constant 1 : i32
        %get3A_973 = arith.index_cast %get3A_971 : i32 to index
        %get3A_974 = arith.index_cast %get3A_972 : i32 to index
        %get3A_975 = arith.index_cast %add3A_839 : i32 to index
        %get3A_976 = arith.constant 48 : index
        %get3A_977 = tpu.vector_load %arg6[%get3A_973, %get3A_974, %get3A_975, %get3A_976] {strides = array<i32>} : memref<2x4x64x128xf32, #tpu.memory_space<vmem>>, vector<16xf32>,
        %add3A_978 = arith.addf %get3A_970, %get3A_977 : vector<16xf32>
        %get3A_979 = arith.constant 0 : i32
        %get3A_980 = arith.constant 2 : i32
        %get3A_981 = arith.index_cast %get3A_979 : i32 to index
        %get3A_982 = arith.index_cast %get3A_980 : i32 to index
        %get3A_983 = arith.index_cast %add3A_839 : i32 to index
        %get3A_984 = arith.constant 48 : index
        %get3A_985 = tpu.vector_load %arg6[%get3A_981, %get3A_982, %get3A_983, %get3A_984] {strides = array<i32>} : memref<2x4x64x128xf32, #tpu.memory_space<vmem>>, vector<16xf32>,
        %add3A_986 = arith.addf %add3A_978, %get3A_985 : vector<16xf32>
        %get3A_987 = arith.constant 0 : i32
        %get3A_988 = arith.constant 3 : i32
        %get3A_989 = arith.index_cast %get3A_987 : i32 to index
        %get3A_990 = arith.index_cast %get3A_988 : i32 to index
        %get3A_991 = arith.index_cast %add3A_839 : i32 to index
        %get3A_992 = arith.constant 48 : index
        %get3A_993 = tpu.vector_load %arg6[%get3A_989, %get3A_990, %get3A_991, %get3A_992] {strides = array<i32>} : memref<2x4x64x128xf32, #tpu.memory_space<vmem>>, vector<16xf32>,
        %add3A_994 = arith.addf %add3A_986, %get3A_993 : vector<16xf32>
        %mul3A_995 = arith.constant 2.500000e-01 : f32
        %mul3A_996 = vector.broadcast %mul3A_995 : f32 to vector<16xf32>
        %mul3A_997 = arith.mulf %add3A_994, %mul3A_996 : vector<16xf32>
        %scatter3A_998 = arith.constant 0 : i32
        %scatter3A_999 = arith.constant 0 : i32
        %scatter3A_1000 = arith.constant 0 : i32
        %scatter3A_1001 = arith.constant 0 : i32
        %scatter3A_1002 = tpu.memref_slice %arg7[%scatter3A_998, %scatter3A_999, %scatter3A_1000, %scatter3A_1001] : memref<2x8x8x128xf32, #tpu.memory_space<vmem>> -> memref<1x8x8x128xf32, #tpu.memory_space<vmem>>
        %scatter3A_1003 = tpu.memref_squeeze %scatter3A_1002 : memref<1x8x8x128xf32, #tpu.memory_space<vmem>> -> memref<8x8x128xf32, #tpu.memory_space<vmem>>
        tpu.vector_store_idx %scatter3A_1003[%shift_right_arithmetic3A_136, %and3A_159, %add3A_843], %mul3A_997 : memref<8x8x128xf32, #tpu.memory_space<vmem>>[vector<16xi32>, vector<16xi32>, vector<16xi32>], vector<16xf32>,
      }
      %scan3A_404 = arith.constant 32 : i32
      %add3A_405 = arith.constant 2 : i32
      %add3A_406 = arith.addi %add3A_297, %add3A_405 : i32
      %lt3A_407 = arith.constant 100 : i32
      %lt3A_408 = arith.cmpi slt, %add3A_406, %lt3A_407 : i32
      %convert_element_type3A_409 = arith.extui %lt3A_408 : i1 to i32
      %cond3A_410 = arith.constant 0 : i32
      %cond3A_411 = arith.cmpi ne, %convert_element_type3A_409, %cond3A_410 : i32
      scf.if %cond3A_411 {
        %add3A_670 = arith.constant 2 : i32
        %add3A_671 = arith.addi %add3A_297, %add3A_670 : i32
        %and3A_672 = arith.constant 1 : i32
        %and3A_673 = arith.andi %add3A_671, %and3A_672 : i32
        %shift_right_arithmetic3A_674 = arith.constant 1 : i32
        %shift_right_arithmetic3A_675 = arith.shrsi %add3A_671, %shift_right_arithmetic3A_674 : i32
        %shift_right_arithmetic3A_676 = arith.constant 1 : i32
        %shift_right_arithmetic3A_677 = arith.shrsi %shift_right_arithmetic3A_675, %shift_right_arithmetic3A_676 : i32
        %and3A_678 = arith.constant 1 : i32
        %and3A_679 = arith.andi %shift_right_arithmetic3A_675, %and3A_678 : i32
        %shift_left3A_680 = arith.constant 2 : i32
        %shift_left3A_681 = arith.shli %and3A_679, %shift_left3A_680 : i32
        %add3A_682 = arith.constant 0 : i32
        %add3A_683 = arith.addi %shift_left3A_681, %add3A_682 : i32
        %mul3A_684 = arith.constant 64 : i32
        %mul3A_685 = arith.muli %and3A_673, %mul3A_684 : i32
        %dma_start3A_686 = arith.constant 0 : i32
        %dma_start3A_687 = arith.constant 0 : i32
        %dma_start3A_688 = arith.constant 0 : i32
        %dma_start3A_689 = arith.constant 0 : i32
        %dma_start3A_690 = tpu.memref_slice %arg6[%dma_start3A_686, %dma_start3A_687, %dma_start3A_688, %dma_start3A_689] : memref<2x4x64x128xf32, #tpu.memory_space<vmem>> -> memref<1x1x64x128xf32, #tpu.memory_space<vmem>>
        %dma_start3A_691 = tpu.memref_squeeze %dma_start3A_690 : memref<1x1x64x128xf32, #tpu.memory_space<vmem>> -> memref<64x128xf32, #tpu.memory_space<vmem>>
        %dma_start3A_692 = tpu.memref_slice %arg5[%shift_right_arithmetic3A_677, %add3A_683, %mul3A_685] : memref<25x8x128xi32, #tpu.memory_space<vmem>> -> memref<1x1x64xi32, #tpu.memory_space<vmem>>
        %dma_start3A_693 = tpu.memref_squeeze %dma_start3A_692 : memref<1x1x64xi32, #tpu.memory_space<vmem>> -> memref<64xi32, #tpu.memory_space<vmem>>
        %dma_start3A_694 = arith.constant 0 : i32
        %dma_start3A_695 = arith.constant 0 : i32
        %dma_start3A_696 = tpu.memref_slice %arg3[%dma_start3A_694, %dma_start3A_695] : memref<1000000x128xf32, #tpu.memory_space<hbm>> -> memref<1000000x128xf32, #tpu.memory_space<hbm>>
        tpu.enqueue_indirect_dma source(%dma_start3A_696 : memref<1000000x128xf32, #tpu.memory_space<hbm>>) target(%dma_start3A_691 : memref<64x128xf32, #tpu.memory_space<vmem>>) offsets(%dma_start3A_693 : memref<64xi32, #tpu.memory_space<vmem>>) semaphore(%arg8 : memref<!tpu.dma_semaphore, #tpu.memory_space<semaphore_mem>>)
        %and3A_697 = arith.constant 1 : i32
        %and3A_698 = arith.andi %add3A_671, %and3A_697 : i32
        %shift_right_arithmetic3A_699 = arith.constant 1 : i32
        %shift_right_arithmetic3A_700 = arith.shrsi %add3A_671, %shift_right_arithmetic3A_699 : i32
        %shift_right_arithmetic3A_701 = arith.constant 1 : i32
        %shift_right_arithmetic3A_702 = arith.shrsi %shift_right_arithmetic3A_700, %shift_right_arithmetic3A_701 : i32
        %and3A_703 = arith.constant 1 : i32
        %and3A_704 = arith.andi %shift_right_arithmetic3A_700, %and3A_703 : i32
        %shift_left3A_705 = arith.constant 2 : i32
        %shift_left3A_706 = arith.shli %and3A_704, %shift_left3A_705 : i32
        %add3A_707 = arith.constant 1 : i32
        %add3A_708 = arith.addi %shift_left3A_706, %add3A_707 : i32
        %mul3A_709 = arith.constant 64 : i32
        %mul3A_710 = arith.muli %and3A_698, %mul3A_709 : i32
        %dma_start3A_711 = arith.constant 0 : i32
        %dma_start3A_712 = arith.constant 1 : i32
        %dma_start3A_713 = arith.constant 0 : i32
        %dma_start3A_714 = arith.constant 0 : i32
        %dma_start3A_715 = tpu.memref_slice %arg6[%dma_start3A_711, %dma_start3A_712, %dma_start3A_713, %dma_start3A_714] : memref<2x4x64x128xf32, #tpu.memory_space<vmem>> -> memref<1x1x64x128xf32, #tpu.memory_space<vmem>>
        %dma_start3A_716 = tpu.memref_squeeze %dma_start3A_715 : memref<1x1x64x128xf32, #tpu.memory_space<vmem>> -> memref<64x128xf32, #tpu.memory_space<vmem>>
        %dma_start3A_717 = tpu.memref_slice %arg5[%shift_right_arithmetic3A_702, %add3A_708, %mul3A_710] : memref<25x8x128xi32, #tpu.memory_space<vmem>> -> memref<1x1x64xi32, #tpu.memory_space<vmem>>
        %dma_start3A_718 = tpu.memref_squeeze %dma_start3A_717 : memref<1x1x64xi32, #tpu.memory_space<vmem>> -> memref<64xi32, #tpu.memory_space<vmem>>
        %dma_start3A_719 = arith.constant 0 : i32
        %dma_start3A_720 = arith.constant 0 : i32
        %dma_start3A_721 = tpu.memref_slice %arg3[%dma_start3A_719, %dma_start3A_720] : memref<1000000x128xf32, #tpu.memory_space<hbm>> -> memref<1000000x128xf32, #tpu.memory_space<hbm>>
        tpu.enqueue_indirect_dma source(%dma_start3A_721 : memref<1000000x128xf32, #tpu.memory_space<hbm>>) target(%dma_start3A_716 : memref<64x128xf32, #tpu.memory_space<vmem>>) offsets(%dma_start3A_718 : memref<64xi32, #tpu.memory_space<vmem>>) semaphore(%arg8 : memref<!tpu.dma_semaphore, #tpu.memory_space<semaphore_mem>>)
        %and3A_722 = arith.constant 1 : i32
        %and3A_723 = arith.andi %add3A_671, %and3A_722 : i32
        %shift_right_arithmetic3A_724 = arith.constant 1 : i32
        %shift_right_arithmetic3A_725 = arith.shrsi %add3A_671, %shift_right_arithmetic3A_724 : i32
        %shift_right_arithmetic3A_726 = arith.constant 1 : i32
        %shift_right_arithmetic3A_727 = arith.shrsi %shift_right_arithmetic3A_725, %shift_right_arithmetic3A_726 : i32
        %and3A_728 = arith.constant 1 : i32
        %and3A_729 = arith.andi %shift_right_arithmetic3A_725, %and3A_728 : i32
        %shift_left3A_730 = arith.constant 2 : i32
        %shift_left3A_731 = arith.shli %and3A_729, %shift_left3A_730 : i32
        %add3A_732 = arith.constant 2 : i32
        %add3A_733 = arith.addi %shift_left3A_731, %add3A_732 : i32
        %mul3A_734 = arith.constant 64 : i32
        %mul3A_735 = arith.muli %and3A_723, %mul3A_734 : i32
        %dma_start3A_736 = arith.constant 0 : i32
        %dma_start3A_737 = arith.constant 2 : i32
        %dma_start3A_738 = arith.constant 0 : i32
        %dma_start3A_739 = arith.constant 0 : i32
        %dma_start3A_740 = tpu.memref_slice %arg6[%dma_start3A_736, %dma_start3A_737, %dma_start3A_738, %dma_start3A_739] : memref<2x4x64x128xf32, #tpu.memory_space<vmem>> -> memref<1x1x64x128xf32, #tpu.memory_space<vmem>>
        %dma_start3A_741 = tpu.memref_squeeze %dma_start3A_740 : memref<1x1x64x128xf32, #tpu.memory_space<vmem>> -> memref<64x128xf32, #tpu.memory_space<vmem>>
        %dma_start3A_742 = tpu.memref_slice %arg5[%shift_right_arithmetic3A_727, %add3A_733, %mul3A_735] : memref<25x8x128xi32, #tpu.memory_space<vmem>> -> memref<1x1x64xi32, #tpu.memory_space<vmem>>
        %dma_start3A_743 = tpu.memref_squeeze %dma_start3A_742 : memref<1x1x64xi32, #tpu.memory_space<vmem>> -> memref<64xi32, #tpu.memory_space<vmem>>
        %dma_start3A_744 = arith.constant 0 : i32
        %dma_start3A_745 = arith.constant 0 : i32
        %dma_start3A_746 = tpu.memref_slice %arg3[%dma_start3A_744, %dma_start3A_745] : memref<1000000x128xf32, #tpu.memory_space<hbm>> -> memref<1000000x128xf32, #tpu.memory_space<hbm>>
        tpu.enqueue_indirect_dma source(%dma_start3A_746 : memref<1000000x128xf32, #tpu.memory_space<hbm>>) target(%dma_start3A_741 : memref<64x128xf32, #tpu.memory_space<vmem>>) offsets(%dma_start3A_743 : memref<64xi32, #tpu.memory_space<vmem>>) semaphore(%arg8 : memref<!tpu.dma_semaphore, #tpu.memory_space<semaphore_mem>>)
        %and3A_747 = arith.constant 1 : i32
        %and3A_748 = arith.andi %add3A_671, %and3A_747 : i32
        %shift_right_arithmetic3A_749 = arith.constant 1 : i32
        %shift_right_arithmetic3A_750 = arith.shrsi %add3A_671, %shift_right_arithmetic3A_749 : i32
        %shift_right_arithmetic3A_751 = arith.constant 1 : i32
        %shift_right_arithmetic3A_752 = arith.shrsi %shift_right_arithmetic3A_750, %shift_right_arithmetic3A_751 : i32
        %and3A_753 = arith.constant 1 : i32
        %and3A_754 = arith.andi %shift_right_arithmetic3A_750, %and3A_753 : i32
        %shift_left3A_755 = arith.constant 2 : i32
        %shift_left3A_756 = arith.shli %and3A_754, %shift_left3A_755 : i32
        %add3A_757 = arith.constant 3 : i32
        %add3A_758 = arith.addi %shift_left3A_756, %add3A_757 : i32
        %mul3A_759 = arith.constant 64 : i32
        %mul3A_760 = arith.muli %and3A_748, %mul3A_759 : i32
        %dma_start3A_761 = arith.constant 0 : i32
        %dma_start3A_762 = arith.constant 3 : i32
        %dma_start3A_763 = arith.constant 0 : i32
        %dma_start3A_764 = arith.constant 0 : i32
        %dma_start3A_765 = tpu.memref_slice %arg6[%dma_start3A_761, %dma_start3A_762, %dma_start3A_763, %dma_start3A_764] : memref<2x4x64x128xf32, #tpu.memory_space<vmem>> -> memref<1x1x64x128xf32, #tpu.memory_space<vmem>>
        %dma_start3A_766 = tpu.memref_squeeze %dma_start3A_765 : memref<1x1x64x128xf32, #tpu.memory_space<vmem>> -> memref<64x128xf32, #tpu.memory_space<vmem>>
        %dma_start3A_767 = tpu.memref_slice %arg5[%shift_right_arithmetic3A_752, %add3A_758, %mul3A_760] : memref<25x8x128xi32, #tpu.memory_space<vmem>> -> memref<1x1x64xi32, #tpu.memory_space<vmem>>
        %dma_start3A_768 = tpu.memref_squeeze %dma_start3A_767 : memref<1x1x64xi32, #tpu.memory_space<vmem>> -> memref<64xi32, #tpu.memory_space<vmem>>
        %dma_start3A_769 = arith.constant 0 : i32
        %dma_start3A_770 = arith.constant 0 : i32
        %dma_start3A_771 = tpu.memref_slice %arg3[%dma_start3A_769, %dma_start3A_770] : memref<1000000x128xf32, #tpu.memory_space<hbm>> -> memref<1000000x128xf32, #tpu.memory_space<hbm>>
        tpu.enqueue_indirect_dma source(%dma_start3A_771 : memref<1000000x128xf32, #tpu.memory_space<hbm>>) target(%dma_start3A_766 : memref<64x128xf32, #tpu.memory_space<vmem>>) offsets(%dma_start3A_768 : memref<64xi32, #tpu.memory_space<vmem>>) semaphore(%arg8 : memref<!tpu.dma_semaphore, #tpu.memory_space<semaphore_mem>>)
      } else {
      }
      %mul3A_412 = arith.constant 100 : i32
      %mul3A_413 = arith.muli %add3A, %mul3A_412 : i32
      %add3A_414 = arith.addi %mul3A_413, %add3A_297 : i32
      %jit3A_415 = arith.constant 64 : i32
      %div3A_416 = arith.divsi %add3A_414, %jit3A_415 : i32
      %sign3A_417 = arith.constant 0 : i32
      %sign3A_418 = arith.cmpi sgt, %add3A_414, %sign3A_417 : i32
      %sign3A_419 = arith.extui %sign3A_418 : i1 to i32
      %sign3A_420 = arith.constant 0 : i32
      %sign3A_421 = arith.cmpi slt, %add3A_414, %sign3A_420 : i32
      %sign3A_422 = arith.extui %sign3A_421 : i1 to i32
      %sign3A_423 = arith.subi %sign3A_419, %sign3A_422 : i32
      %sign3A_424 = arith.constant 0 : i32
      %sign3A_425 = arith.cmpi sgt, %jit3A_415, %sign3A_424 : i32
      %sign3A_426 = arith.extui %sign3A_425 : i1 to i32
      %sign3A_427 = arith.constant 0 : i32
      %sign3A_428 = arith.cmpi slt, %jit3A_415, %sign3A_427 : i32
      %sign3A_429 = arith.extui %sign3A_428 : i1 to i32
      %sign3A_430 = arith.subi %sign3A_426, %sign3A_429 : i32
      %ne3A_431 = arith.cmpi ne, %sign3A_423, %sign3A_430 : i32
      %rem3A_432 = arith.remsi %add3A_414, %jit3A_415 : i32
      %ne3A_433 = arith.constant 0 : i32
      %ne3A_434 = arith.cmpi ne, %rem3A_432, %ne3A_433 : i32
      %and3A_435 = arith.andi %ne3A_431, %ne3A_434 : i1
      %sub3A_436 = arith.constant 1 : i32
      %sub3A_437 = arith.subi %div3A_416, %sub3A_436 : i32
      %select_n3A_438 = arith.select %and3A_435, %sub3A_437, %div3A_416 : i32
      %jit3A_439 = arith.constant 64 : i32
      %eq3A_440 = arith.constant 0 : i32
      %eq3A_441 = arith.cmpi eq, %jit3A_439, %eq3A_440 : i32
      %jit3A_442 = arith.constant 1 : i32
      %select_n3A_443 = arith.select %eq3A_441, %jit3A_442, %jit3A_439 : i32
      %rem3A_444 = arith.remsi %add3A_414, %select_n3A_443 : i32
      %ne3A_445 = arith.constant 0 : i32
      %ne3A_446 = arith.cmpi ne, %rem3A_444, %ne3A_445 : i32
      %lt3A_447 = arith.constant 0 : i32
      %lt3A_448 = arith.cmpi slt, %rem3A_444, %lt3A_447 : i32
      %lt3A_449 = arith.constant 0 : i32
      %lt3A_450 = arith.cmpi slt, %select_n3A_443, %lt3A_449 : i32
      %ne3A_451 = arith.xori %lt3A_448, %lt3A_450 : i1
      %and3A_452 = arith.andi %ne3A_451, %ne3A_446 : i1
      %add3A_453 = arith.addi %rem3A_444, %select_n3A_443 : i32
      %select_n3A_454 = arith.select %and3A_452, %add3A_453, %rem3A_444 : i32
      %shift_right_arithmetic3A_455 = arith.constant 1 : i32
      %shift_right_arithmetic3A_456 = arith.shrsi %select_n3A_454, %shift_right_arithmetic3A_455 : i32
      %and3A_457 = arith.constant 1 : i32
      %and3A_458 = arith.andi %select_n3A_454, %and3A_457 : i32
      %mul3A_459 = arith.constant 64 : i32
      %mul3A_460 = arith.muli %and3A_458, %mul3A_459 : i32
      %dma_start3A_461 = arith.constant 0 : i32
      %dma_start3A_462 = arith.constant 0 : i32
      %dma_start3A_463 = arith.constant 0 : i32
      %dma_start3A_464 = arith.constant 0 : i32
      %dma_start3A_465 = tpu.memref_slice %arg7[%dma_start3A_461, %dma_start3A_462, %dma_start3A_463, %dma_start3A_464] : memref<2x8x8x128xf32, #tpu.memory_space<vmem>> -> memref<1x8x8x64xf32, #tpu.memory_space<vmem>>
      %dma_start3A_466 = tpu.memref_squeeze %dma_start3A_465 : memref<1x8x8x64xf32, #tpu.memory_space<vmem>> -> memref<8x8x64xf32, #tpu.memory_space<vmem>>
      %dma_start3A_467 = arith.constant 0 : i32
      %dma_start3A_468 = arith.constant 0 : i32
      %dma_start3A_469 = tpu.memref_slice %arg4[%select_n3A_438, %dma_start3A_467, %shift_right_arithmetic3A_456, %dma_start3A_468, %mul3A_460] : memref<50x8x32x8x128xf32, #tpu.memory_space<hbm>> -> memref<1x8x1x8x64xf32, #tpu.memory_space<hbm>>
      %dma_start3A_470 = tpu.memref_squeeze %dma_start3A_469 : memref<1x8x1x8x64xf32, #tpu.memory_space<hbm>> -> memref<8x8x64xf32, #tpu.memory_space<hbm>>
      %dma_start3A_471 = arith.constant 0 : i32
      %dma_start3A_472 = arith.constant 0 : i32
      %dma_start3A_473 = tpu.memref_slice %arg4[%select_n3A_438, %dma_start3A_471, %shift_right_arithmetic3A_456, %dma_start3A_472, %mul3A_460] : memref<50x8x32x8x128xf32, #tpu.memory_space<hbm>> -> memref<1x8x1x8x64xf32, #tpu.memory_space<hbm>>
      %dma_start3A_474 = tpu.memref_squeeze %dma_start3A_473 : memref<1x8x1x8x64xf32, #tpu.memory_space<hbm>> -> memref<8x8x64xf32, #tpu.memory_space<hbm>>
      %dma_start3A_475 = arith.constant 0 : i32
      %dma_start3A_476 = arith.constant 0 : i32
      %dma_start3A_477 = arith.constant 0 : i32
      %dma_start3A_478 = tpu.memref_slice %arg7[%dma_start3A_461, %dma_start3A_475, %dma_start3A_476, %dma_start3A_477] : memref<2x8x8x128xf32, #tpu.memory_space<vmem>> -> memref<1x8x8x64xf32, #tpu.memory_space<vmem>>
      %dma_start3A_479 = tpu.memref_squeeze %dma_start3A_478 : memref<1x8x8x64xf32, #tpu.memory_space<vmem>> -> memref<8x8x64xf32, #tpu.memory_space<vmem>>
      tpu.enqueue_dma source(%dma_start3A_479 : memref<8x8x64xf32, #tpu.memory_space<vmem>>) target(%dma_start3A_474 : memref<8x8x64xf32, #tpu.memory_space<hbm>>) target_semaphore(%arg10 : memref<!tpu.dma_semaphore, #tpu.memory_space<semaphore_mem>>)
      %mul3A_480 = arith.constant 2 : i32
      %mul3A_481 = arith.muli %scan3A_293, %mul3A_480 : i32
      %add3A_482 = arith.constant 1 : i32
      %add3A_483 = arith.addi %mul3A_481, %add3A_482 : i32
      %and3A_484 = arith.constant 1 : i32
      %and3A_485 = arith.andi %add3A_483, %and3A_484 : i32
      %shift_right_arithmetic3A_486 = arith.constant 1 : i32
      %shift_right_arithmetic3A_487 = arith.shrsi %add3A_483, %shift_right_arithmetic3A_486 : i32
      %shift_right_arithmetic3A_488 = arith.constant 1 : i32
      %shift_right_arithmetic3A_489 = arith.shrsi %shift_right_arithmetic3A_487, %shift_right_arithmetic3A_488 : i32
      %and3A_490 = arith.constant 1 : i32
      %and3A_491 = arith.andi %shift_right_arithmetic3A_487, %and3A_490 : i32
      %shift_left3A_492 = arith.constant 2 : i32
      %shift_left3A_493 = arith.shli %and3A_491, %shift_left3A_492 : i32
      %add3A_494 = arith.constant 0 : i32
      %add3A_495 = arith.addi %shift_left3A_493, %add3A_494 : i32
      %mul3A_496 = arith.constant 64 : i32
      %mul3A_497 = arith.muli %and3A_485, %mul3A_496 : i32
      %dma_wait3A_498 = arith.constant 1 : i32
      %dma_wait3A_499 = arith.constant 0 : i32
      %dma_wait3A_500 = arith.constant 0 : i32
      %dma_wait3A_501 = arith.constant 0 : i32
      %dma_wait3A_502 = tpu.memref_slice %arg6[%dma_wait3A_498, %dma_wait3A_499, %dma_wait3A_500, %dma_wait3A_501] : memref<2x4x64x128xf32, #tpu.memory_space<vmem>> -> memref<1x1x64x128xf32, #tpu.memory_space<vmem>>
      %dma_wait3A_503 = tpu.memref_squeeze %dma_wait3A_502 : memref<1x1x64x128xf32, #tpu.memory_space<vmem>> -> memref<64x128xf32, #tpu.memory_space<vmem>>
      %dma_wait3A_504 = tpu.memref_slice %arg5[%shift_right_arithmetic3A_489, %add3A_495, %mul3A_497] : memref<25x8x128xi32, #tpu.memory_space<vmem>> -> memref<1x1x64xi32, #tpu.memory_space<vmem>>
      %dma_wait3A_505 = tpu.memref_squeeze %dma_wait3A_504 : memref<1x1x64xi32, #tpu.memory_space<vmem>> -> memref<64xi32, #tpu.memory_space<vmem>>
      %dma_wait3A_506 = arith.constant 0 : i32
      %dma_wait3A_507 = arith.constant 0 : i32
      %dma_wait3A_508 = tpu.memref_slice %arg3[%dma_wait3A_506, %dma_wait3A_507] : memref<1000000x128xf32, #tpu.memory_space<hbm>> -> memref<1000000x128xf32, #tpu.memory_space<hbm>>
      tpu.wait_indirect_dma semaphore(%arg9 : memref<!tpu.dma_semaphore, #tpu.memory_space<semaphore_mem>>) src(%dma_wait3A_508 : memref<1000000x128xf32, #tpu.memory_space<hbm>>) dst(%dma_wait3A_503 : memref<64x128xf32, #tpu.memory_space<vmem>>)
      %and3A_509 = arith.constant 1 : i32
      %and3A_510 = arith.andi %add3A_483, %and3A_509 : i32
      %shift_right_arithmetic3A_511 = arith.constant 1 : i32
      %shift_right_arithmetic3A_512 = arith.shrsi %add3A_483, %shift_right_arithmetic3A_511 : i32
      %shift_right_arithmetic3A_513 = arith.constant 1 : i32
      %shift_right_arithmetic3A_514 = arith.shrsi %shift_right_arithmetic3A_512, %shift_right_arithmetic3A_513 : i32
      %and3A_515 = arith.constant 1 : i32
      %and3A_516 = arith.andi %shift_right_arithmetic3A_512, %and3A_515 : i32
      %shift_left3A_517 = arith.constant 2 : i32
      %shift_left3A_518 = arith.shli %and3A_516, %shift_left3A_517 : i32
      %add3A_519 = arith.constant 1 : i32
      %add3A_520 = arith.addi %shift_left3A_518, %add3A_519 : i32
      %mul3A_521 = arith.constant 64 : i32
      %mul3A_522 = arith.muli %and3A_510, %mul3A_521 : i32
      %dma_wait3A_523 = arith.constant 1 : i32
      %dma_wait3A_524 = arith.constant 1 : i32
      %dma_wait3A_525 = arith.constant 0 : i32
      %dma_wait3A_526 = arith.constant 0 : i32
      %dma_wait3A_527 = tpu.memref_slice %arg6[%dma_wait3A_523, %dma_wait3A_524, %dma_wait3A_525, %dma_wait3A_526] : memref<2x4x64x128xf32, #tpu.memory_space<vmem>> -> memref<1x1x64x128xf32, #tpu.memory_space<vmem>>
      %dma_wait3A_528 = tpu.memref_squeeze %dma_wait3A_527 : memref<1x1x64x128xf32, #tpu.memory_space<vmem>> -> memref<64x128xf32, #tpu.memory_space<vmem>>
      %dma_wait3A_529 = tpu.memref_slice %arg5[%shift_right_arithmetic3A_514, %add3A_520, %mul3A_522] : memref<25x8x128xi32, #tpu.memory_space<vmem>> -> memref<1x1x64xi32, #tpu.memory_space<vmem>>
      %dma_wait3A_530 = tpu.memref_squeeze %dma_wait3A_529 : memref<1x1x64xi32, #tpu.memory_space<vmem>> -> memref<64xi32, #tpu.memory_space<vmem>>
      %dma_wait3A_531 = arith.constant 0 : i32
      %dma_wait3A_532 = arith.constant 0 : i32
      %dma_wait3A_533 = tpu.memref_slice %arg3[%dma_wait3A_531, %dma_wait3A_532] : memref<1000000x128xf32, #tpu.memory_space<hbm>> -> memref<1000000x128xf32, #tpu.memory_space<hbm>>
      tpu.wait_indirect_dma semaphore(%arg9 : memref<!tpu.dma_semaphore, #tpu.memory_space<semaphore_mem>>) src(%dma_wait3A_533 : memref<1000000x128xf32, #tpu.memory_space<hbm>>) dst(%dma_wait3A_528 : memref<64x128xf32, #tpu.memory_space<vmem>>)
      %and3A_534 = arith.constant 1 : i32
      %and3A_535 = arith.andi %add3A_483, %and3A_534 : i32
      %shift_right_arithmetic3A_536 = arith.constant 1 : i32
      %shift_right_arithmetic3A_537 = arith.shrsi %add3A_483, %shift_right_arithmetic3A_536 : i32
      %shift_right_arithmetic3A_538 = arith.constant 1 : i32
      %shift_right_arithmetic3A_539 = arith.shrsi %shift_right_arithmetic3A_537, %shift_right_arithmetic3A_538 : i32
      %and3A_540 = arith.constant 1 : i32
      %and3A_541 = arith.andi %shift_right_arithmetic3A_537, %and3A_540 : i32
      %shift_left3A_542 = arith.constant 2 : i32
      %shift_left3A_543 = arith.shli %and3A_541, %shift_left3A_542 : i32
      %add3A_544 = arith.constant 2 : i32
      %add3A_545 = arith.addi %shift_left3A_543, %add3A_544 : i32
      %mul3A_546 = arith.constant 64 : i32
      %mul3A_547 = arith.muli %and3A_535, %mul3A_546 : i32
      %dma_wait3A_548 = arith.constant 1 : i32
      %dma_wait3A_549 = arith.constant 2 : i32
      %dma_wait3A_550 = arith.constant 0 : i32
      %dma_wait3A_551 = arith.constant 0 : i32
      %dma_wait3A_552 = tpu.memref_slice %arg6[%dma_wait3A_548, %dma_wait3A_549, %dma_wait3A_550, %dma_wait3A_551] : memref<2x4x64x128xf32, #tpu.memory_space<vmem>> -> memref<1x1x64x128xf32, #tpu.memory_space<vmem>>
      %dma_wait3A_553 = tpu.memref_squeeze %dma_wait3A_552 : memref<1x1x64x128xf32, #tpu.memory_space<vmem>> -> memref<64x128xf32, #tpu.memory_space<vmem>>
      %dma_wait3A_554 = tpu.memref_slice %arg5[%shift_right_arithmetic3A_539, %add3A_545, %mul3A_547] : memref<25x8x128xi32, #tpu.memory_space<vmem>> -> memref<1x1x64xi32, #tpu.memory_space<vmem>>
      %dma_wait3A_555 = tpu.memref_squeeze %dma_wait3A_554 : memref<1x1x64xi32, #tpu.memory_space<vmem>> -> memref<64xi32, #tpu.memory_space<vmem>>
      %dma_wait3A_556 = arith.constant 0 : i32
      %dma_wait3A_557 = arith.constant 0 : i32
      %dma_wait3A_558 = tpu.memref_slice %arg3[%dma_wait3A_556, %dma_wait3A_557] : memref<1000000x128xf32, #tpu.memory_space<hbm>> -> memref<1000000x128xf32, #tpu.memory_space<hbm>>
      tpu.wait_indirect_dma semaphore(%arg9 : memref<!tpu.dma_semaphore, #tpu.memory_space<semaphore_mem>>) src(%dma_wait3A_558 : memref<1000000x128xf32, #tpu.memory_space<hbm>>) dst(%dma_wait3A_553 : memref<64x128xf32, #tpu.memory_space<vmem>>)
      %and3A_559 = arith.constant 1 : i32
      %and3A_560 = arith.andi %add3A_483, %and3A_559 : i32
      %shift_right_arithmetic3A_561 = arith.constant 1 : i32
      %shift_right_arithmetic3A_562 = arith.shrsi %add3A_483, %shift_right_arithmetic3A_561 : i32
      %shift_right_arithmetic3A_563 = arith.constant 1 : i32
      %shift_right_arithmetic3A_564 = arith.shrsi %shift_right_arithmetic3A_562, %shift_right_arithmetic3A_563 : i32
      %and3A_565 = arith.constant 1 : i32
      %and3A_566 = arith.andi %shift_right_arithmetic3A_562, %and3A_565 : i32
      %shift_left3A_567 = arith.constant 2 : i32
      %shift_left3A_568 = arith.shli %and3A_566, %shift_left3A_567 : i32
      %add3A_569 = arith.constant 3 : i32
      %add3A_570 = arith.addi %shift_left3A_568, %add3A_569 : i32
      %mul3A_571 = arith.constant 64 : i32
      %mul3A_572 = arith.muli %and3A_560, %mul3A_571 : i32
      %dma_wait3A_573 = arith.constant 1 : i32
      %dma_wait3A_574 = arith.constant 3 : i32
      %dma_wait3A_575 = arith.constant 0 : i32
      %dma_wait3A_576 = arith.constant 0 : i32
      %dma_wait3A_577 = tpu.memref_slice %arg6[%dma_wait3A_573, %dma_wait3A_574, %dma_wait3A_575, %dma_wait3A_576] : memref<2x4x64x128xf32, #tpu.memory_space<vmem>> -> memref<1x1x64x128xf32, #tpu.memory_space<vmem>>
      %dma_wait3A_578 = tpu.memref_squeeze %dma_wait3A_577 : memref<1x1x64x128xf32, #tpu.memory_space<vmem>> -> memref<64x128xf32, #tpu.memory_space<vmem>>
      %dma_wait3A_579 = tpu.memref_slice %arg5[%shift_right_arithmetic3A_564, %add3A_570, %mul3A_572] : memref<25x8x128xi32, #tpu.memory_space<vmem>> -> memref<1x1x64xi32, #tpu.memory_space<vmem>>
      %dma_wait3A_580 = tpu.memref_squeeze %dma_wait3A_579 : memref<1x1x64xi32, #tpu.memory_space<vmem>> -> memref<64xi32, #tpu.memory_space<vmem>>
      %dma_wait3A_581 = arith.constant 0 : i32
      %dma_wait3A_582 = arith.constant 0 : i32
      %dma_wait3A_583 = tpu.memref_slice %arg3[%dma_wait3A_581, %dma_wait3A_582] : memref<1000000x128xf32, #tpu.memory_space<hbm>> -> memref<1000000x128xf32, #tpu.memory_space<hbm>>
      tpu.wait_indirect_dma semaphore(%arg9 : memref<!tpu.dma_semaphore, #tpu.memory_space<semaphore_mem>>) src(%dma_wait3A_583 : memref<1000000x128xf32, #tpu.memory_space<hbm>>) dst(%dma_wait3A_578 : memref<64x128xf32, #tpu.memory_space<vmem>>)
      %gt3A_584 = arith.constant 0 : i32
      %gt3A_585 = arith.cmpi sgt, %scan3A_293, %gt3A_584 : i32
      %convert_element_type3A_586 = arith.extui %gt3A_585 : i1 to i32
      %cond3A_587 = arith.constant 0 : i32
      %cond3A_588 = arith.cmpi ne, %convert_element_type3A_586, %cond3A_587 : i32
      scf.if %cond3A_588 {
        %sub3A_670 = arith.constant 2 : i32
        %sub3A_671 = arith.subi %add3A_483, %sub3A_670 : i32
        %mul3A_672 = arith.constant 100 : i32
        %mul3A_673 = arith.muli %add3A, %mul3A_672 : i32
        %add3A_674 = arith.addi %mul3A_673, %sub3A_671 : i32
        %jit3A_675 = arith.constant 64 : i32
        %div3A_676 = arith.divsi %add3A_674, %jit3A_675 : i32
        %sign3A_677 = arith.constant 0 : i32
        %sign3A_678 = arith.cmpi sgt, %add3A_674, %sign3A_677 : i32
        %sign3A_679 = arith.extui %sign3A_678 : i1 to i32
        %sign3A_680 = arith.constant 0 : i32
        %sign3A_681 = arith.cmpi slt, %add3A_674, %sign3A_680 : i32
        %sign3A_682 = arith.extui %sign3A_681 : i1 to i32
        %sign3A_683 = arith.subi %sign3A_679, %sign3A_682 : i32
        %sign3A_684 = arith.constant 0 : i32
        %sign3A_685 = arith.cmpi sgt, %jit3A_675, %sign3A_684 : i32
        %sign3A_686 = arith.extui %sign3A_685 : i1 to i32
        %sign3A_687 = arith.constant 0 : i32
        %sign3A_688 = arith.cmpi slt, %jit3A_675, %sign3A_687 : i32
        %sign3A_689 = arith.extui %sign3A_688 : i1 to i32
        %sign3A_690 = arith.subi %sign3A_686, %sign3A_689 : i32
        %ne3A_691 = arith.cmpi ne, %sign3A_683, %sign3A_690 : i32
        %rem3A_692 = arith.remsi %add3A_674, %jit3A_675 : i32
        %ne3A_693 = arith.constant 0 : i32
        %ne3A_694 = arith.cmpi ne, %rem3A_692, %ne3A_693 : i32
        %and3A_695 = arith.andi %ne3A_691, %ne3A_694 : i1
        %sub3A_696 = arith.constant 1 : i32
        %sub3A_697 = arith.subi %div3A_676, %sub3A_696 : i32
        %select_n3A_698 = arith.select %and3A_695, %sub3A_697, %div3A_676 : i32
        %jit3A_699 = arith.constant 64 : i32
        %eq3A_700 = arith.constant 0 : i32
        %eq3A_701 = arith.cmpi eq, %jit3A_699, %eq3A_700 : i32
        %jit3A_702 = arith.constant 1 : i32
        %select_n3A_703 = arith.select %eq3A_701, %jit3A_702, %jit3A_699 : i32
        %rem3A_704 = arith.remsi %add3A_674, %select_n3A_703 : i32
        %ne3A_705 = arith.constant 0 : i32
        %ne3A_706 = arith.cmpi ne, %rem3A_704, %ne3A_705 : i32
        %lt3A_707 = arith.constant 0 : i32
        %lt3A_708 = arith.cmpi slt, %rem3A_704, %lt3A_707 : i32
        %lt3A_709 = arith.constant 0 : i32
        %lt3A_710 = arith.cmpi slt, %select_n3A_703, %lt3A_709 : i32
        %ne3A_711 = arith.xori %lt3A_708, %lt3A_710 : i1
        %and3A_712 = arith.andi %ne3A_711, %ne3A_706 : i1
        %add3A_713 = arith.addi %rem3A_704, %select_n3A_703 : i32
        %select_n3A_714 = arith.select %and3A_712, %add3A_713, %rem3A_704 : i32
        %shift_right_arithmetic3A_715 = arith.constant 1 : i32
        %shift_right_arithmetic3A_716 = arith.shrsi %select_n3A_714, %shift_right_arithmetic3A_715 : i32
        %and3A_717 = arith.constant 1 : i32
        %and3A_718 = arith.andi %select_n3A_714, %and3A_717 : i32
        %mul3A_719 = arith.constant 64 : i32
        %mul3A_720 = arith.muli %and3A_718, %mul3A_719 : i32
        %dma_wait3A_721 = arith.constant 1 : i32
        %dma_wait3A_722 = arith.constant 0 : i32
        %dma_wait3A_723 = arith.constant 0 : i32
        %dma_wait3A_724 = arith.constant 0 : i32
        %dma_wait3A_725 = tpu.memref_slice %arg7[%dma_wait3A_721, %dma_wait3A_722, %dma_wait3A_723, %dma_wait3A_724] : memref<2x8x8x128xf32, #tpu.memory_space<vmem>> -> memref<1x8x8x64xf32, #tpu.memory_space<vmem>>
        %dma_wait3A_726 = tpu.memref_squeeze %dma_wait3A_725 : memref<1x8x8x64xf32, #tpu.memory_space<vmem>> -> memref<8x8x64xf32, #tpu.memory_space<vmem>>
        %dma_wait3A_727 = arith.constant 0 : i32
        %dma_wait3A_728 = arith.constant 0 : i32
        %dma_wait3A_729 = tpu.memref_slice %arg4[%select_n3A_698, %dma_wait3A_727, %shift_right_arithmetic3A_716, %dma_wait3A_728, %mul3A_720] : memref<50x8x32x8x128xf32, #tpu.memory_space<hbm>> -> memref<1x8x1x8x64xf32, #tpu.memory_space<hbm>>
        %dma_wait3A_730 = tpu.memref_squeeze %dma_wait3A_729 : memref<1x8x1x8x64xf32, #tpu.memory_space<hbm>> -> memref<8x8x64xf32, #tpu.memory_space<hbm>>
        %dma_wait3A_731 = arith.constant 0 : i32
        %dma_wait3A_732 = arith.constant 0 : i32
        %dma_wait3A_733 = tpu.memref_slice %arg4[%select_n3A_698, %dma_wait3A_731, %shift_right_arithmetic3A_716, %dma_wait3A_732, %mul3A_720] : memref<50x8x32x8x128xf32, #tpu.memory_space<hbm>> -> memref<1x8x1x8x64xf32, #tpu.memory_space<hbm>>
        %dma_wait3A_734 = tpu.memref_squeeze %dma_wait3A_733 : memref<1x8x1x8x64xf32, #tpu.memory_space<hbm>> -> memref<8x8x64xf32, #tpu.memory_space<hbm>>
        %dma_wait3A_735 = arith.constant 0 : i32
        %dma_wait3A_736 = arith.constant 0 : i32
        %dma_wait3A_737 = arith.constant 0 : i32
        %dma_wait3A_738 = tpu.memref_slice %arg7[%dma_wait3A_721, %dma_wait3A_735, %dma_wait3A_736, %dma_wait3A_737] : memref<2x8x8x128xf32, #tpu.memory_space<vmem>> -> memref<1x8x8x64xf32, #tpu.memory_space<vmem>>
        %dma_wait3A_739 = tpu.memref_squeeze %dma_wait3A_738 : memref<1x8x8x64xf32, #tpu.memory_space<vmem>> -> memref<8x8x64xf32, #tpu.memory_space<vmem>>
        tpu.wait_dma2 semaphore(%arg11 : memref<!tpu.dma_semaphore, #tpu.memory_space<semaphore_mem>>) src(%dma_wait3A_739 : memref<8x8x64xf32, #tpu.memory_space<vmem>>) dst(%dma_wait3A_734 : memref<8x8x64xf32, #tpu.memory_space<hbm>>)
      } else {
      }
      %scan3A_589 = arith.constant 0 : i32
      %scan3A_590 = arith.constant 0 : i32
      %scan3A_591 = arith.constant 32 : i32
      %scan3A_592 = arith.addi %scan3A_590, %scan3A_591 : i32
      %scan3A_593 = arith.constant 1 : i32
      scf.for %scan3A_670 = %scan3A_590 to %scan3A_592 step %scan3A_593  : i32 {
        %mul3A_671 = arith.constant 2 : i32
        %mul3A_672 = arith.muli %scan3A_670, %mul3A_671 : i32
        %add3A_673 = arith.constant 0 : i32
        %add3A_674 = arith.addi %mul3A_672, %add3A_673 : i32
        %broadcast_in_dim3A = arith.constant 0 : i32
        %broadcast_in_dim3A_675 = vector.broadcast %broadcast_in_dim3A : i32 to vector<16xi32>
        %add3A_676 = vector.broadcast %add3A_674 : i32 to vector<16xi32>
        %add3A_677 = arith.addi %broadcast_in_dim3A_675, %add3A_676 : vector<16xi32>
        %get3A = arith.constant 1 : i32
        %get3A_678 = arith.constant 0 : i32
        %get3A_679 = arith.index_cast %get3A : i32 to index
        %get3A_680 = arith.index_cast %get3A_678 : i32 to index
        %get3A_681 = arith.index_cast %add3A_674 : i32 to index
        %get3A_682 = arith.constant 0 : index
        %get3A_683 = tpu.vector_load %arg6[%get3A_679, %get3A_680, %get3A_681, %get3A_682] {strides = array<i32>} : memref<2x4x64x128xf32, #tpu.memory_space<vmem>>, vector<16xf32>,
        %get3A_684 = arith.constant 1 : i32
        %get3A_685 = arith.constant 1 : i32
        %get3A_686 = arith.index_cast %get3A_684 : i32 to index
        %get3A_687 = arith.index_cast %get3A_685 : i32 to index
        %get3A_688 = arith.index_cast %add3A_674 : i32 to index
        %get3A_689 = arith.constant 0 : index
        %get3A_690 = tpu.vector_load %arg6[%get3A_686, %get3A_687, %get3A_688, %get3A_689] {strides = array<i32>} : memref<2x4x64x128xf32, #tpu.memory_space<vmem>>, vector<16xf32>,
        %add3A_691 = arith.addf %get3A_683, %get3A_690 : vector<16xf32>
        %get3A_692 = arith.constant 1 : i32
        %get3A_693 = arith.constant 2 : i32
        %get3A_694 = arith.index_cast %get3A_692 : i32 to index
        %get3A_695 = arith.index_cast %get3A_693 : i32 to index
        %get3A_696 = arith.index_cast %add3A_674 : i32 to index
        %get3A_697 = arith.constant 0 : index
        %get3A_698 = tpu.vector_load %arg6[%get3A_694, %get3A_695, %get3A_696, %get3A_697] {strides = array<i32>} : memref<2x4x64x128xf32, #tpu.memory_space<vmem>>, vector<16xf32>,
        %add3A_699 = arith.addf %add3A_691, %get3A_698 : vector<16xf32>
        %get3A_700 = arith.constant 1 : i32
        %get3A_701 = arith.constant 3 : i32
        %get3A_702 = arith.index_cast %get3A_700 : i32 to index
        %get3A_703 = arith.index_cast %get3A_701 : i32 to index
        %get3A_704 = arith.index_cast %add3A_674 : i32 to index
        %get3A_705 = arith.constant 0 : index
        %get3A_706 = tpu.vector_load %arg6[%get3A_702, %get3A_703, %get3A_704, %get3A_705] {strides = array<i32>} : memref<2x4x64x128xf32, #tpu.memory_space<vmem>>, vector<16xf32>,
        %add3A_707 = arith.addf %add3A_699, %get3A_706 : vector<16xf32>
        %mul3A_708 = arith.constant 2.500000e-01 : f32
        %mul3A_709 = vector.broadcast %mul3A_708 : f32 to vector<16xf32>
        %mul3A_710 = arith.mulf %add3A_707, %mul3A_709 : vector<16xf32>
        %scatter3A = arith.constant 1 : i32
        %scatter3A_711 = arith.constant 0 : i32
        %scatter3A_712 = arith.constant 0 : i32
        %scatter3A_713 = arith.constant 0 : i32
        %scatter3A_714 = tpu.memref_slice %arg7[%scatter3A, %scatter3A_711, %scatter3A_712, %scatter3A_713] : memref<2x8x8x128xf32, #tpu.memory_space<vmem>> -> memref<1x8x8x128xf32, #tpu.memory_space<vmem>>
        %scatter3A_715 = tpu.memref_squeeze %scatter3A_714 : memref<1x8x8x128xf32, #tpu.memory_space<vmem>> -> memref<8x8x128xf32, #tpu.memory_space<vmem>>
        tpu.vector_store_idx %scatter3A_715[%shift_right_arithmetic3A_118, %and3A_141, %add3A_677], %mul3A_710 : memref<8x8x128xf32, #tpu.memory_space<vmem>>[vector<16xi32>, vector<16xi32>, vector<16xi32>], vector<16xf32>,
        %get3A_716 = arith.constant 1 : i32
        %get3A_717 = arith.constant 0 : i32
        %get3A_718 = arith.index_cast %get3A_716 : i32 to index
        %get3A_719 = arith.index_cast %get3A_717 : i32 to index
        %get3A_720 = arith.index_cast %add3A_674 : i32 to index
        %get3A_721 = arith.constant 16 : index
        %get3A_722 = tpu.vector_load %arg6[%get3A_718, %get3A_719, %get3A_720, %get3A_721] {strides = array<i32>} : memref<2x4x64x128xf32, #tpu.memory_space<vmem>>, vector<16xf32>,
        %get3A_723 = arith.constant 1 : i32
        %get3A_724 = arith.constant 1 : i32
        %get3A_725 = arith.index_cast %get3A_723 : i32 to index
        %get3A_726 = arith.index_cast %get3A_724 : i32 to index
        %get3A_727 = arith.index_cast %add3A_674 : i32 to index
        %get3A_728 = arith.constant 16 : index
        %get3A_729 = tpu.vector_load %arg6[%get3A_725, %get3A_726, %get3A_727, %get3A_728] {strides = array<i32>} : memref<2x4x64x128xf32, #tpu.memory_space<vmem>>, vector<16xf32>,
        %add3A_730 = arith.addf %get3A_722, %get3A_729 : vector<16xf32>
        %get3A_731 = arith.constant 1 : i32
        %get3A_732 = arith.constant 2 : i32
        %get3A_733 = arith.index_cast %get3A_731 : i32 to index
        %get3A_734 = arith.index_cast %get3A_732 : i32 to index
        %get3A_735 = arith.index_cast %add3A_674 : i32 to index
        %get3A_736 = arith.constant 16 : index
        %get3A_737 = tpu.vector_load %arg6[%get3A_733, %get3A_734, %get3A_735, %get3A_736] {strides = array<i32>} : memref<2x4x64x128xf32, #tpu.memory_space<vmem>>, vector<16xf32>,
        %add3A_738 = arith.addf %add3A_730, %get3A_737 : vector<16xf32>
        %get3A_739 = arith.constant 1 : i32
        %get3A_740 = arith.constant 3 : i32
        %get3A_741 = arith.index_cast %get3A_739 : i32 to index
        %get3A_742 = arith.index_cast %get3A_740 : i32 to index
        %get3A_743 = arith.index_cast %add3A_674 : i32 to index
        %get3A_744 = arith.constant 16 : index
        %get3A_745 = tpu.vector_load %arg6[%get3A_741, %get3A_742, %get3A_743, %get3A_744] {strides = array<i32>} : memref<2x4x64x128xf32, #tpu.memory_space<vmem>>, vector<16xf32>,
        %add3A_746 = arith.addf %add3A_738, %get3A_745 : vector<16xf32>
        %mul3A_747 = arith.constant 2.500000e-01 : f32
        %mul3A_748 = vector.broadcast %mul3A_747 : f32 to vector<16xf32>
        %mul3A_749 = arith.mulf %add3A_746, %mul3A_748 : vector<16xf32>
        %scatter3A_750 = arith.constant 1 : i32
        %scatter3A_751 = arith.constant 0 : i32
        %scatter3A_752 = arith.constant 0 : i32
        %scatter3A_753 = arith.constant 0 : i32
        %scatter3A_754 = tpu.memref_slice %arg7[%scatter3A_750, %scatter3A_751, %scatter3A_752, %scatter3A_753] : memref<2x8x8x128xf32, #tpu.memory_space<vmem>> -> memref<1x8x8x128xf32, #tpu.memory_space<vmem>>
        %scatter3A_755 = tpu.memref_squeeze %scatter3A_754 : memref<1x8x8x128xf32, #tpu.memory_space<vmem>> -> memref<8x8x128xf32, #tpu.memory_space<vmem>>
        tpu.vector_store_idx %scatter3A_755[%shift_right_arithmetic3A_124, %and3A_147, %add3A_677], %mul3A_749 : memref<8x8x128xf32, #tpu.memory_space<vmem>>[vector<16xi32>, vector<16xi32>, vector<16xi32>], vector<16xf32>,
        %get3A_756 = arith.constant 1 : i32
        %get3A_757 = arith.constant 0 : i32
        %get3A_758 = arith.index_cast %get3A_756 : i32 to index
        %get3A_759 = arith.index_cast %get3A_757 : i32 to index
        %get3A_760 = arith.index_cast %add3A_674 : i32 to index
        %get3A_761 = arith.constant 32 : index
        %get3A_762 = tpu.vector_load %arg6[%get3A_758, %get3A_759, %get3A_760, %get3A_761] {strides = array<i32>} : memref<2x4x64x128xf32, #tpu.memory_space<vmem>>, vector<16xf32>,
        %get3A_763 = arith.constant 1 : i32
        %get3A_764 = arith.constant 1 : i32
        %get3A_765 = arith.index_cast %get3A_763 : i32 to index
        %get3A_766 = arith.index_cast %get3A_764 : i32 to index
        %get3A_767 = arith.index_cast %add3A_674 : i32 to index
        %get3A_768 = arith.constant 32 : index
        %get3A_769 = tpu.vector_load %arg6[%get3A_765, %get3A_766, %get3A_767, %get3A_768] {strides = array<i32>} : memref<2x4x64x128xf32, #tpu.memory_space<vmem>>, vector<16xf32>,
        %add3A_770 = arith.addf %get3A_762, %get3A_769 : vector<16xf32>
        %get3A_771 = arith.constant 1 : i32
        %get3A_772 = arith.constant 2 : i32
        %get3A_773 = arith.index_cast %get3A_771 : i32 to index
        %get3A_774 = arith.index_cast %get3A_772 : i32 to index
        %get3A_775 = arith.index_cast %add3A_674 : i32 to index
        %get3A_776 = arith.constant 32 : index
        %get3A_777 = tpu.vector_load %arg6[%get3A_773, %get3A_774, %get3A_775, %get3A_776] {strides = array<i32>} : memref<2x4x64x128xf32, #tpu.memory_space<vmem>>, vector<16xf32>,
        %add3A_778 = arith.addf %add3A_770, %get3A_777 : vector<16xf32>
        %get3A_779 = arith.constant 1 : i32
        %get3A_780 = arith.constant 3 : i32
        %get3A_781 = arith.index_cast %get3A_779 : i32 to index
        %get3A_782 = arith.index_cast %get3A_780 : i32 to index
        %get3A_783 = arith.index_cast %add3A_674 : i32 to index
        %get3A_784 = arith.constant 32 : index
        %get3A_785 = tpu.vector_load %arg6[%get3A_781, %get3A_782, %get3A_783, %get3A_784] {strides = array<i32>} : memref<2x4x64x128xf32, #tpu.memory_space<vmem>>, vector<16xf32>,
        %add3A_786 = arith.addf %add3A_778, %get3A_785 : vector<16xf32>
        %mul3A_787 = arith.constant 2.500000e-01 : f32
        %mul3A_788 = vector.broadcast %mul3A_787 : f32 to vector<16xf32>
        %mul3A_789 = arith.mulf %add3A_786, %mul3A_788 : vector<16xf32>
        %scatter3A_790 = arith.constant 1 : i32
        %scatter3A_791 = arith.constant 0 : i32
        %scatter3A_792 = arith.constant 0 : i32
        %scatter3A_793 = arith.constant 0 : i32
        %scatter3A_794 = tpu.memref_slice %arg7[%scatter3A_790, %scatter3A_791, %scatter3A_792, %scatter3A_793] : memref<2x8x8x128xf32, #tpu.memory_space<vmem>> -> memref<1x8x8x128xf32, #tpu.memory_space<vmem>>
        %scatter3A_795 = tpu.memref_squeeze %scatter3A_794 : memref<1x8x8x128xf32, #tpu.memory_space<vmem>> -> memref<8x8x128xf32, #tpu.memory_space<vmem>>
        tpu.vector_store_idx %scatter3A_795[%shift_right_arithmetic3A_130, %and3A_153, %add3A_677], %mul3A_789 : memref<8x8x128xf32, #tpu.memory_space<vmem>>[vector<16xi32>, vector<16xi32>, vector<16xi32>], vector<16xf32>,
        %get3A_796 = arith.constant 1 : i32
        %get3A_797 = arith.constant 0 : i32
        %get3A_798 = arith.index_cast %get3A_796 : i32 to index
        %get3A_799 = arith.index_cast %get3A_797 : i32 to index
        %get3A_800 = arith.index_cast %add3A_674 : i32 to index
        %get3A_801 = arith.constant 48 : index
        %get3A_802 = tpu.vector_load %arg6[%get3A_798, %get3A_799, %get3A_800, %get3A_801] {strides = array<i32>} : memref<2x4x64x128xf32, #tpu.memory_space<vmem>>, vector<16xf32>,
        %get3A_803 = arith.constant 1 : i32
        %get3A_804 = arith.constant 1 : i32
        %get3A_805 = arith.index_cast %get3A_803 : i32 to index
        %get3A_806 = arith.index_cast %get3A_804 : i32 to index
        %get3A_807 = arith.index_cast %add3A_674 : i32 to index
        %get3A_808 = arith.constant 48 : index
        %get3A_809 = tpu.vector_load %arg6[%get3A_805, %get3A_806, %get3A_807, %get3A_808] {strides = array<i32>} : memref<2x4x64x128xf32, #tpu.memory_space<vmem>>, vector<16xf32>,
        %add3A_810 = arith.addf %get3A_802, %get3A_809 : vector<16xf32>
        %get3A_811 = arith.constant 1 : i32
        %get3A_812 = arith.constant 2 : i32
        %get3A_813 = arith.index_cast %get3A_811 : i32 to index
        %get3A_814 = arith.index_cast %get3A_812 : i32 to index
        %get3A_815 = arith.index_cast %add3A_674 : i32 to index
        %get3A_816 = arith.constant 48 : index
        %get3A_817 = tpu.vector_load %arg6[%get3A_813, %get3A_814, %get3A_815, %get3A_816] {strides = array<i32>} : memref<2x4x64x128xf32, #tpu.memory_space<vmem>>, vector<16xf32>,
        %add3A_818 = arith.addf %add3A_810, %get3A_817 : vector<16xf32>
        %get3A_819 = arith.constant 1 : i32
        %get3A_820 = arith.constant 3 : i32
        %get3A_821 = arith.index_cast %get3A_819 : i32 to index
        %get3A_822 = arith.index_cast %get3A_820 : i32 to index
        %get3A_823 = arith.index_cast %add3A_674 : i32 to index
        %get3A_824 = arith.constant 48 : index
        %get3A_825 = tpu.vector_load %arg6[%get3A_821, %get3A_822, %get3A_823, %get3A_824] {strides = array<i32>} : memref<2x4x64x128xf32, #tpu.memory_space<vmem>>, vector<16xf32>,
        %add3A_826 = arith.addf %add3A_818, %get3A_825 : vector<16xf32>
        %mul3A_827 = arith.constant 2.500000e-01 : f32
        %mul3A_828 = vector.broadcast %mul3A_827 : f32 to vector<16xf32>
        %mul3A_829 = arith.mulf %add3A_826, %mul3A_828 : vector<16xf32>
        %scatter3A_830 = arith.constant 1 : i32
        %scatter3A_831 = arith.constant 0 : i32
        %scatter3A_832 = arith.constant 0 : i32
        %scatter3A_833 = arith.constant 0 : i32
        %scatter3A_834 = tpu.memref_slice %arg7[%scatter3A_830, %scatter3A_831, %scatter3A_832, %scatter3A_833] : memref<2x8x8x128xf32, #tpu.memory_space<vmem>> -> memref<1x8x8x128xf32, #tpu.memory_space<vmem>>
        %scatter3A_835 = tpu.memref_squeeze %scatter3A_834 : memref<1x8x8x128xf32, #tpu.memory_space<vmem>> -> memref<8x8x128xf32, #tpu.memory_space<vmem>>
        tpu.vector_store_idx %scatter3A_835[%shift_right_arithmetic3A_136, %and3A_159, %add3A_677], %mul3A_829 : memref<8x8x128xf32, #tpu.memory_space<vmem>>[vector<16xi32>, vector<16xi32>, vector<16xi32>], vector<16xf32>,
        %mul3A_836 = arith.constant 2 : i32
        %mul3A_837 = arith.muli %scan3A_670, %mul3A_836 : i32
        %add3A_838 = arith.constant 1 : i32
        %add3A_839 = arith.addi %mul3A_837, %add3A_838 : i32
        %broadcast_in_dim3A_840 = arith.constant 0 : i32
        %broadcast_in_dim3A_841 = vector.broadcast %broadcast_in_dim3A_840 : i32 to vector<16xi32>
        %add3A_842 = vector.broadcast %add3A_839 : i32 to vector<16xi32>
        %add3A_843 = arith.addi %broadcast_in_dim3A_841, %add3A_842 : vector<16xi32>
        %get3A_844 = arith.constant 1 : i32
        %get3A_845 = arith.constant 0 : i32
        %get3A_846 = arith.index_cast %get3A_844 : i32 to index
        %get3A_847 = arith.index_cast %get3A_845 : i32 to index
        %get3A_848 = arith.index_cast %add3A_839 : i32 to index
        %get3A_849 = arith.constant 0 : index
        %get3A_850 = tpu.vector_load %arg6[%get3A_846, %get3A_847, %get3A_848, %get3A_849] {strides = array<i32>} : memref<2x4x64x128xf32, #tpu.memory_space<vmem>>, vector<16xf32>,
        %get3A_851 = arith.constant 1 : i32
        %get3A_852 = arith.constant 1 : i32
        %get3A_853 = arith.index_cast %get3A_851 : i32 to index
        %get3A_854 = arith.index_cast %get3A_852 : i32 to index
        %get3A_855 = arith.index_cast %add3A_839 : i32 to index
        %get3A_856 = arith.constant 0 : index
        %get3A_857 = tpu.vector_load %arg6[%get3A_853, %get3A_854, %get3A_855, %get3A_856] {strides = array<i32>} : memref<2x4x64x128xf32, #tpu.memory_space<vmem>>, vector<16xf32>,
        %add3A_858 = arith.addf %get3A_850, %get3A_857 : vector<16xf32>
        %get3A_859 = arith.constant 1 : i32
        %get3A_860 = arith.constant 2 : i32
        %get3A_861 = arith.index_cast %get3A_859 : i32 to index
        %get3A_862 = arith.index_cast %get3A_860 : i32 to index
        %get3A_863 = arith.index_cast %add3A_839 : i32 to index
        %get3A_864 = arith.constant 0 : index
        %get3A_865 = tpu.vector_load %arg6[%get3A_861, %get3A_862, %get3A_863, %get3A_864] {strides = array<i32>} : memref<2x4x64x128xf32, #tpu.memory_space<vmem>>, vector<16xf32>,
        %add3A_866 = arith.addf %add3A_858, %get3A_865 : vector<16xf32>
        %get3A_867 = arith.constant 1 : i32
        %get3A_868 = arith.constant 3 : i32
        %get3A_869 = arith.index_cast %get3A_867 : i32 to index
        %get3A_870 = arith.index_cast %get3A_868 : i32 to index
        %get3A_871 = arith.index_cast %add3A_839 : i32 to index
        %get3A_872 = arith.constant 0 : index
        %get3A_873 = tpu.vector_load %arg6[%get3A_869, %get3A_870, %get3A_871, %get3A_872] {strides = array<i32>} : memref<2x4x64x128xf32, #tpu.memory_space<vmem>>, vector<16xf32>,
        %add3A_874 = arith.addf %add3A_866, %get3A_873 : vector<16xf32>
        %mul3A_875 = arith.constant 2.500000e-01 : f32
        %mul3A_876 = vector.broadcast %mul3A_875 : f32 to vector<16xf32>
        %mul3A_877 = arith.mulf %add3A_874, %mul3A_876 : vector<16xf32>
        %scatter3A_878 = arith.constant 1 : i32
        %scatter3A_879 = arith.constant 0 : i32
        %scatter3A_880 = arith.constant 0 : i32
        %scatter3A_881 = arith.constant 0 : i32
        %scatter3A_882 = tpu.memref_slice %arg7[%scatter3A_878, %scatter3A_879, %scatter3A_880, %scatter3A_881] : memref<2x8x8x128xf32, #tpu.memory_space<vmem>> -> memref<1x8x8x128xf32, #tpu.memory_space<vmem>>
        %scatter3A_883 = tpu.memref_squeeze %scatter3A_882 : memref<1x8x8x128xf32, #tpu.memory_space<vmem>> -> memref<8x8x128xf32, #tpu.memory_space<vmem>>
        tpu.vector_store_idx %scatter3A_883[%shift_right_arithmetic3A_118, %and3A_141, %add3A_843], %mul3A_877 : memref<8x8x128xf32, #tpu.memory_space<vmem>>[vector<16xi32>, vector<16xi32>, vector<16xi32>], vector<16xf32>,
        %get3A_884 = arith.constant 1 : i32
        %get3A_885 = arith.constant 0 : i32
        %get3A_886 = arith.index_cast %get3A_884 : i32 to index
        %get3A_887 = arith.index_cast %get3A_885 : i32 to index
        %get3A_888 = arith.index_cast %add3A_839 : i32 to index
        %get3A_889 = arith.constant 16 : index
        %get3A_890 = tpu.vector_load %arg6[%get3A_886, %get3A_887, %get3A_888, %get3A_889] {strides = array<i32>} : memref<2x4x64x128xf32, #tpu.memory_space<vmem>>, vector<16xf32>,
        %get3A_891 = arith.constant 1 : i32
        %get3A_892 = arith.constant 1 : i32
        %get3A_893 = arith.index_cast %get3A_891 : i32 to index
        %get3A_894 = arith.index_cast %get3A_892 : i32 to index
        %get3A_895 = arith.index_cast %add3A_839 : i32 to index
        %get3A_896 = arith.constant 16 : index
        %get3A_897 = tpu.vector_load %arg6[%get3A_893, %get3A_894, %get3A_895, %get3A_896] {strides = array<i32>} : memref<2x4x64x128xf32, #tpu.memory_space<vmem>>, vector<16xf32>,
        %add3A_898 = arith.addf %get3A_890, %get3A_897 : vector<16xf32>
        %get3A_899 = arith.constant 1 : i32
        %get3A_900 = arith.constant 2 : i32
        %get3A_901 = arith.index_cast %get3A_899 : i32 to index
        %get3A_902 = arith.index_cast %get3A_900 : i32 to index
        %get3A_903 = arith.index_cast %add3A_839 : i32 to index
        %get3A_904 = arith.constant 16 : index
        %get3A_905 = tpu.vector_load %arg6[%get3A_901, %get3A_902, %get3A_903, %get3A_904] {strides = array<i32>} : memref<2x4x64x128xf32, #tpu.memory_space<vmem>>, vector<16xf32>,
        %add3A_906 = arith.addf %add3A_898, %get3A_905 : vector<16xf32>
        %get3A_907 = arith.constant 1 : i32
        %get3A_908 = arith.constant 3 : i32
        %get3A_909 = arith.index_cast %get3A_907 : i32 to index
        %get3A_910 = arith.index_cast %get3A_908 : i32 to index
        %get3A_911 = arith.index_cast %add3A_839 : i32 to index
        %get3A_912 = arith.constant 16 : index
        %get3A_913 = tpu.vector_load %arg6[%get3A_909, %get3A_910, %get3A_911, %get3A_912] {strides = array<i32>} : memref<2x4x64x128xf32, #tpu.memory_space<vmem>>, vector<16xf32>,
        %add3A_914 = arith.addf %add3A_906, %get3A_913 : vector<16xf32>
        %mul3A_915 = arith.constant 2.500000e-01 : f32
        %mul3A_916 = vector.broadcast %mul3A_915 : f32 to vector<16xf32>
        %mul3A_917 = arith.mulf %add3A_914, %mul3A_916 : vector<16xf32>
        %scatter3A_918 = arith.constant 1 : i32
        %scatter3A_919 = arith.constant 0 : i32
        %scatter3A_920 = arith.constant 0 : i32
        %scatter3A_921 = arith.constant 0 : i32
        %scatter3A_922 = tpu.memref_slice %arg7[%scatter3A_918, %scatter3A_919, %scatter3A_920, %scatter3A_921] : memref<2x8x8x128xf32, #tpu.memory_space<vmem>> -> memref<1x8x8x128xf32, #tpu.memory_space<vmem>>
        %scatter3A_923 = tpu.memref_squeeze %scatter3A_922 : memref<1x8x8x128xf32, #tpu.memory_space<vmem>> -> memref<8x8x128xf32, #tpu.memory_space<vmem>>
        tpu.vector_store_idx %scatter3A_923[%shift_right_arithmetic3A_124, %and3A_147, %add3A_843], %mul3A_917 : memref<8x8x128xf32, #tpu.memory_space<vmem>>[vector<16xi32>, vector<16xi32>, vector<16xi32>], vector<16xf32>,
        %get3A_924 = arith.constant 1 : i32
        %get3A_925 = arith.constant 0 : i32
        %get3A_926 = arith.index_cast %get3A_924 : i32 to index
        %get3A_927 = arith.index_cast %get3A_925 : i32 to index
        %get3A_928 = arith.index_cast %add3A_839 : i32 to index
        %get3A_929 = arith.constant 32 : index
        %get3A_930 = tpu.vector_load %arg6[%get3A_926, %get3A_927, %get3A_928, %get3A_929] {strides = array<i32>} : memref<2x4x64x128xf32, #tpu.memory_space<vmem>>, vector<16xf32>,
        %get3A_931 = arith.constant 1 : i32
        %get3A_932 = arith.constant 1 : i32
        %get3A_933 = arith.index_cast %get3A_931 : i32 to index
        %get3A_934 = arith.index_cast %get3A_932 : i32 to index
        %get3A_935 = arith.index_cast %add3A_839 : i32 to index
        %get3A_936 = arith.constant 32 : index
        %get3A_937 = tpu.vector_load %arg6[%get3A_933, %get3A_934, %get3A_935, %get3A_936] {strides = array<i32>} : memref<2x4x64x128xf32, #tpu.memory_space<vmem>>, vector<16xf32>,
        %add3A_938 = arith.addf %get3A_930, %get3A_937 : vector<16xf32>
        %get3A_939 = arith.constant 1 : i32
        %get3A_940 = arith.constant 2 : i32
        %get3A_941 = arith.index_cast %get3A_939 : i32 to index
        %get3A_942 = arith.index_cast %get3A_940 : i32 to index
        %get3A_943 = arith.index_cast %add3A_839 : i32 to index
        %get3A_944 = arith.constant 32 : index
        %get3A_945 = tpu.vector_load %arg6[%get3A_941, %get3A_942, %get3A_943, %get3A_944] {strides = array<i32>} : memref<2x4x64x128xf32, #tpu.memory_space<vmem>>, vector<16xf32>,
        %add3A_946 = arith.addf %add3A_938, %get3A_945 : vector<16xf32>
        %get3A_947 = arith.constant 1 : i32
        %get3A_948 = arith.constant 3 : i32
        %get3A_949 = arith.index_cast %get3A_947 : i32 to index
        %get3A_950 = arith.index_cast %get3A_948 : i32 to index
        %get3A_951 = arith.index_cast %add3A_839 : i32 to index
        %get3A_952 = arith.constant 32 : index
        %get3A_953 = tpu.vector_load %arg6[%get3A_949, %get3A_950, %get3A_951, %get3A_952] {strides = array<i32>} : memref<2x4x64x128xf32, #tpu.memory_space<vmem>>, vector<16xf32>,
        %add3A_954 = arith.addf %add3A_946, %get3A_953 : vector<16xf32>
        %mul3A_955 = arith.constant 2.500000e-01 : f32
        %mul3A_956 = vector.broadcast %mul3A_955 : f32 to vector<16xf32>
        %mul3A_957 = arith.mulf %add3A_954, %mul3A_956 : vector<16xf32>
        %scatter3A_958 = arith.constant 1 : i32
        %scatter3A_959 = arith.constant 0 : i32
        %scatter3A_960 = arith.constant 0 : i32
        %scatter3A_961 = arith.constant 0 : i32
        %scatter3A_962 = tpu.memref_slice %arg7[%scatter3A_958, %scatter3A_959, %scatter3A_960, %scatter3A_961] : memref<2x8x8x128xf32, #tpu.memory_space<vmem>> -> memref<1x8x8x128xf32, #tpu.memory_space<vmem>>
        %scatter3A_963 = tpu.memref_squeeze %scatter3A_962 : memref<1x8x8x128xf32, #tpu.memory_space<vmem>> -> memref<8x8x128xf32, #tpu.memory_space<vmem>>
        tpu.vector_store_idx %scatter3A_963[%shift_right_arithmetic3A_130, %and3A_153, %add3A_843], %mul3A_957 : memref<8x8x128xf32, #tpu.memory_space<vmem>>[vector<16xi32>, vector<16xi32>, vector<16xi32>], vector<16xf32>,
        %get3A_964 = arith.constant 1 : i32
        %get3A_965 = arith.constant 0 : i32
        %get3A_966 = arith.index_cast %get3A_964 : i32 to index
        %get3A_967 = arith.index_cast %get3A_965 : i32 to index
        %get3A_968 = arith.index_cast %add3A_839 : i32 to index
        %get3A_969 = arith.constant 48 : index
        %get3A_970 = tpu.vector_load %arg6[%get3A_966, %get3A_967, %get3A_968, %get3A_969] {strides = array<i32>} : memref<2x4x64x128xf32, #tpu.memory_space<vmem>>, vector<16xf32>,
        %get3A_971 = arith.constant 1 : i32
        %get3A_972 = arith.constant 1 : i32
        %get3A_973 = arith.index_cast %get3A_971 : i32 to index
        %get3A_974 = arith.index_cast %get3A_972 : i32 to index
        %get3A_975 = arith.index_cast %add3A_839 : i32 to index
        %get3A_976 = arith.constant 48 : index
        %get3A_977 = tpu.vector_load %arg6[%get3A_973, %get3A_974, %get3A_975, %get3A_976] {strides = array<i32>} : memref<2x4x64x128xf32, #tpu.memory_space<vmem>>, vector<16xf32>,
        %add3A_978 = arith.addf %get3A_970, %get3A_977 : vector<16xf32>
        %get3A_979 = arith.constant 1 : i32
        %get3A_980 = arith.constant 2 : i32
        %get3A_981 = arith.index_cast %get3A_979 : i32 to index
        %get3A_982 = arith.index_cast %get3A_980 : i32 to index
        %get3A_983 = arith.index_cast %add3A_839 : i32 to index
        %get3A_984 = arith.constant 48 : index
        %get3A_985 = tpu.vector_load %arg6[%get3A_981, %get3A_982, %get3A_983, %get3A_984] {strides = array<i32>} : memref<2x4x64x128xf32, #tpu.memory_space<vmem>>, vector<16xf32>,
        %add3A_986 = arith.addf %add3A_978, %get3A_985 : vector<16xf32>
        %get3A_987 = arith.constant 1 : i32
        %get3A_988 = arith.constant 3 : i32
        %get3A_989 = arith.index_cast %get3A_987 : i32 to index
        %get3A_990 = arith.index_cast %get3A_988 : i32 to index
        %get3A_991 = arith.index_cast %add3A_839 : i32 to index
        %get3A_992 = arith.constant 48 : index
        %get3A_993 = tpu.vector_load %arg6[%get3A_989, %get3A_990, %get3A_991, %get3A_992] {strides = array<i32>} : memref<2x4x64x128xf32, #tpu.memory_space<vmem>>, vector<16xf32>,
        %add3A_994 = arith.addf %add3A_986, %get3A_993 : vector<16xf32>
        %mul3A_995 = arith.constant 2.500000e-01 : f32
        %mul3A_996 = vector.broadcast %mul3A_995 : f32 to vector<16xf32>
        %mul3A_997 = arith.mulf %add3A_994, %mul3A_996 : vector<16xf32>
        %scatter3A_998 = arith.constant 1 : i32
        %scatter3A_999 = arith.constant 0 : i32
        %scatter3A_1000 = arith.constant 0 : i32
        %scatter3A_1001 = arith.constant 0 : i32
        %scatter3A_1002 = tpu.memref_slice %arg7[%scatter3A_998, %scatter3A_999, %scatter3A_1000, %scatter3A_1001] : memref<2x8x8x128xf32, #tpu.memory_space<vmem>> -> memref<1x8x8x128xf32, #tpu.memory_space<vmem>>
        %scatter3A_1003 = tpu.memref_squeeze %scatter3A_1002 : memref<1x8x8x128xf32, #tpu.memory_space<vmem>> -> memref<8x8x128xf32, #tpu.memory_space<vmem>>
        tpu.vector_store_idx %scatter3A_1003[%shift_right_arithmetic3A_136, %and3A_159, %add3A_843], %mul3A_997 : memref<8x8x128xf32, #tpu.memory_space<vmem>>[vector<16xi32>, vector<16xi32>, vector<16xi32>], vector<16xf32>,
      }
      %scan3A_594 = arith.constant 32 : i32
      %add3A_595 = arith.constant 2 : i32
      %add3A_596 = arith.addi %add3A_483, %add3A_595 : i32
      %lt3A_597 = arith.constant 100 : i32
      %lt3A_598 = arith.cmpi slt, %add3A_596, %lt3A_597 : i32
      %convert_element_type3A_599 = arith.extui %lt3A_598 : i1 to i32
      %cond3A_600 = arith.constant 0 : i32
      %cond3A_601 = arith.cmpi ne, %convert_element_type3A_599, %cond3A_600 : i32
      scf.if %cond3A_601 {
        %add3A_670 = arith.constant 2 : i32
        %add3A_671 = arith.addi %add3A_483, %add3A_670 : i32
        %and3A_672 = arith.constant 1 : i32
        %and3A_673 = arith.andi %add3A_671, %and3A_672 : i32
        %shift_right_arithmetic3A_674 = arith.constant 1 : i32
        %shift_right_arithmetic3A_675 = arith.shrsi %add3A_671, %shift_right_arithmetic3A_674 : i32
        %shift_right_arithmetic3A_676 = arith.constant 1 : i32
        %shift_right_arithmetic3A_677 = arith.shrsi %shift_right_arithmetic3A_675, %shift_right_arithmetic3A_676 : i32
        %and3A_678 = arith.constant 1 : i32
        %and3A_679 = arith.andi %shift_right_arithmetic3A_675, %and3A_678 : i32
        %shift_left3A_680 = arith.constant 2 : i32
        %shift_left3A_681 = arith.shli %and3A_679, %shift_left3A_680 : i32
        %add3A_682 = arith.constant 0 : i32
        %add3A_683 = arith.addi %shift_left3A_681, %add3A_682 : i32
        %mul3A_684 = arith.constant 64 : i32
        %mul3A_685 = arith.muli %and3A_673, %mul3A_684 : i32
        %dma_start3A_686 = arith.constant 1 : i32
        %dma_start3A_687 = arith.constant 0 : i32
        %dma_start3A_688 = arith.constant 0 : i32
        %dma_start3A_689 = arith.constant 0 : i32
        %dma_start3A_690 = tpu.memref_slice %arg6[%dma_start3A_686, %dma_start3A_687, %dma_start3A_688, %dma_start3A_689] : memref<2x4x64x128xf32, #tpu.memory_space<vmem>> -> memref<1x1x64x128xf32, #tpu.memory_space<vmem>>
        %dma_start3A_691 = tpu.memref_squeeze %dma_start3A_690 : memref<1x1x64x128xf32, #tpu.memory_space<vmem>> -> memref<64x128xf32, #tpu.memory_space<vmem>>
        %dma_start3A_692 = tpu.memref_slice %arg5[%shift_right_arithmetic3A_677, %add3A_683, %mul3A_685] : memref<25x8x128xi32, #tpu.memory_space<vmem>> -> memref<1x1x64xi32, #tpu.memory_space<vmem>>
        %dma_start3A_693 = tpu.memref_squeeze %dma_start3A_692 : memref<1x1x64xi32, #tpu.memory_space<vmem>> -> memref<64xi32, #tpu.memory_space<vmem>>
        %dma_start3A_694 = arith.constant 0 : i32
        %dma_start3A_695 = arith.constant 0 : i32
        %dma_start3A_696 = tpu.memref_slice %arg3[%dma_start3A_694, %dma_start3A_695] : memref<1000000x128xf32, #tpu.memory_space<hbm>> -> memref<1000000x128xf32, #tpu.memory_space<hbm>>
        tpu.enqueue_indirect_dma source(%dma_start3A_696 : memref<1000000x128xf32, #tpu.memory_space<hbm>>) target(%dma_start3A_691 : memref<64x128xf32, #tpu.memory_space<vmem>>) offsets(%dma_start3A_693 : memref<64xi32, #tpu.memory_space<vmem>>) semaphore(%arg9 : memref<!tpu.dma_semaphore, #tpu.memory_space<semaphore_mem>>)
        %and3A_697 = arith.constant 1 : i32
        %and3A_698 = arith.andi %add3A_671, %and3A_697 : i32
        %shift_right_arithmetic3A_699 = arith.constant 1 : i32
        %shift_right_arithmetic3A_700 = arith.shrsi %add3A_671, %shift_right_arithmetic3A_699 : i32
        %shift_right_arithmetic3A_701 = arith.constant 1 : i32
        %shift_right_arithmetic3A_702 = arith.shrsi %shift_right_arithmetic3A_700, %shift_right_arithmetic3A_701 : i32
        %and3A_703 = arith.constant 1 : i32
        %and3A_704 = arith.andi %shift_right_arithmetic3A_700, %and3A_703 : i32
        %shift_left3A_705 = arith.constant 2 : i32
        %shift_left3A_706 = arith.shli %and3A_704, %shift_left3A_705 : i32
        %add3A_707 = arith.constant 1 : i32
        %add3A_708 = arith.addi %shift_left3A_706, %add3A_707 : i32
        %mul3A_709 = arith.constant 64 : i32
        %mul3A_710 = arith.muli %and3A_698, %mul3A_709 : i32
        %dma_start3A_711 = arith.constant 1 : i32
        %dma_start3A_712 = arith.constant 1 : i32
        %dma_start3A_713 = arith.constant 0 : i32
        %dma_start3A_714 = arith.constant 0 : i32
        %dma_start3A_715 = tpu.memref_slice %arg6[%dma_start3A_711, %dma_start3A_712, %dma_start3A_713, %dma_start3A_714] : memref<2x4x64x128xf32, #tpu.memory_space<vmem>> -> memref<1x1x64x128xf32, #tpu.memory_space<vmem>>
        %dma_start3A_716 = tpu.memref_squeeze %dma_start3A_715 : memref<1x1x64x128xf32, #tpu.memory_space<vmem>> -> memref<64x128xf32, #tpu.memory_space<vmem>>
        %dma_start3A_717 = tpu.memref_slice %arg5[%shift_right_arithmetic3A_702, %add3A_708, %mul3A_710] : memref<25x8x128xi32, #tpu.memory_space<vmem>> -> memref<1x1x64xi32, #tpu.memory_space<vmem>>
        %dma_start3A_718 = tpu.memref_squeeze %dma_start3A_717 : memref<1x1x64xi32, #tpu.memory_space<vmem>> -> memref<64xi32, #tpu.memory_space<vmem>>
        %dma_start3A_719 = arith.constant 0 : i32
        %dma_start3A_720 = arith.constant 0 : i32
        %dma_start3A_721 = tpu.memref_slice %arg3[%dma_start3A_719, %dma_start3A_720] : memref<1000000x128xf32, #tpu.memory_space<hbm>> -> memref<1000000x128xf32, #tpu.memory_space<hbm>>
        tpu.enqueue_indirect_dma source(%dma_start3A_721 : memref<1000000x128xf32, #tpu.memory_space<hbm>>) target(%dma_start3A_716 : memref<64x128xf32, #tpu.memory_space<vmem>>) offsets(%dma_start3A_718 : memref<64xi32, #tpu.memory_space<vmem>>) semaphore(%arg9 : memref<!tpu.dma_semaphore, #tpu.memory_space<semaphore_mem>>)
        %and3A_722 = arith.constant 1 : i32
        %and3A_723 = arith.andi %add3A_671, %and3A_722 : i32
        %shift_right_arithmetic3A_724 = arith.constant 1 : i32
        %shift_right_arithmetic3A_725 = arith.shrsi %add3A_671, %shift_right_arithmetic3A_724 : i32
        %shift_right_arithmetic3A_726 = arith.constant 1 : i32
        %shift_right_arithmetic3A_727 = arith.shrsi %shift_right_arithmetic3A_725, %shift_right_arithmetic3A_726 : i32
        %and3A_728 = arith.constant 1 : i32
        %and3A_729 = arith.andi %shift_right_arithmetic3A_725, %and3A_728 : i32
        %shift_left3A_730 = arith.constant 2 : i32
        %shift_left3A_731 = arith.shli %and3A_729, %shift_left3A_730 : i32
        %add3A_732 = arith.constant 2 : i32
        %add3A_733 = arith.addi %shift_left3A_731, %add3A_732 : i32
        %mul3A_734 = arith.constant 64 : i32
        %mul3A_735 = arith.muli %and3A_723, %mul3A_734 : i32
        %dma_start3A_736 = arith.constant 1 : i32
        %dma_start3A_737 = arith.constant 2 : i32
        %dma_start3A_738 = arith.constant 0 : i32
        %dma_start3A_739 = arith.constant 0 : i32
        %dma_start3A_740 = tpu.memref_slice %arg6[%dma_start3A_736, %dma_start3A_737, %dma_start3A_738, %dma_start3A_739] : memref<2x4x64x128xf32, #tpu.memory_space<vmem>> -> memref<1x1x64x128xf32, #tpu.memory_space<vmem>>
        %dma_start3A_741 = tpu.memref_squeeze %dma_start3A_740 : memref<1x1x64x128xf32, #tpu.memory_space<vmem>> -> memref<64x128xf32, #tpu.memory_space<vmem>>
        %dma_start3A_742 = tpu.memref_slice %arg5[%shift_right_arithmetic3A_727, %add3A_733, %mul3A_735] : memref<25x8x128xi32, #tpu.memory_space<vmem>> -> memref<1x1x64xi32, #tpu.memory_space<vmem>>
        %dma_start3A_743 = tpu.memref_squeeze %dma_start3A_742 : memref<1x1x64xi32, #tpu.memory_space<vmem>> -> memref<64xi32, #tpu.memory_space<vmem>>
        %dma_start3A_744 = arith.constant 0 : i32
        %dma_start3A_745 = arith.constant 0 : i32
        %dma_start3A_746 = tpu.memref_slice %arg3[%dma_start3A_744, %dma_start3A_745] : memref<1000000x128xf32, #tpu.memory_space<hbm>> -> memref<1000000x128xf32, #tpu.memory_space<hbm>>
        tpu.enqueue_indirect_dma source(%dma_start3A_746 : memref<1000000x128xf32, #tpu.memory_space<hbm>>) target(%dma_start3A_741 : memref<64x128xf32, #tpu.memory_space<vmem>>) offsets(%dma_start3A_743 : memref<64xi32, #tpu.memory_space<vmem>>) semaphore(%arg9 : memref<!tpu.dma_semaphore, #tpu.memory_space<semaphore_mem>>)
        %and3A_747 = arith.constant 1 : i32
        %and3A_748 = arith.andi %add3A_671, %and3A_747 : i32
        %shift_right_arithmetic3A_749 = arith.constant 1 : i32
        %shift_right_arithmetic3A_750 = arith.shrsi %add3A_671, %shift_right_arithmetic3A_749 : i32
        %shift_right_arithmetic3A_751 = arith.constant 1 : i32
        %shift_right_arithmetic3A_752 = arith.shrsi %shift_right_arithmetic3A_750, %shift_right_arithmetic3A_751 : i32
        %and3A_753 = arith.constant 1 : i32
        %and3A_754 = arith.andi %shift_right_arithmetic3A_750, %and3A_753 : i32
        %shift_left3A_755 = arith.constant 2 : i32
        %shift_left3A_756 = arith.shli %and3A_754, %shift_left3A_755 : i32
        %add3A_757 = arith.constant 3 : i32
        %add3A_758 = arith.addi %shift_left3A_756, %add3A_757 : i32
        %mul3A_759 = arith.constant 64 : i32
        %mul3A_760 = arith.muli %and3A_748, %mul3A_759 : i32
        %dma_start3A_761 = arith.constant 1 : i32
        %dma_start3A_762 = arith.constant 3 : i32
        %dma_start3A_763 = arith.constant 0 : i32
        %dma_start3A_764 = arith.constant 0 : i32
        %dma_start3A_765 = tpu.memref_slice %arg6[%dma_start3A_761, %dma_start3A_762, %dma_start3A_763, %dma_start3A_764] : memref<2x4x64x128xf32, #tpu.memory_space<vmem>> -> memref<1x1x64x128xf32, #tpu.memory_space<vmem>>
        %dma_start3A_766 = tpu.memref_squeeze %dma_start3A_765 : memref<1x1x64x128xf32, #tpu.memory_space<vmem>> -> memref<64x128xf32, #tpu.memory_space<vmem>>
        %dma_start3A_767 = tpu.memref_slice %arg5[%shift_right_arithmetic3A_752, %add3A_758, %mul3A_760] : memref<25x8x128xi32, #tpu.memory_space<vmem>> -> memref<1x1x64xi32, #tpu.memory_space<vmem>>
        %dma_start3A_768 = tpu.memref_squeeze %dma_start3A_767 : memref<1x1x64xi32, #tpu.memory_space<vmem>> -> memref<64xi32, #tpu.memory_space<vmem>>
        %dma_start3A_769 = arith.constant 0 : i32
        %dma_start3A_770 = arith.constant 0 : i32
        %dma_start3A_771 = tpu.memref_slice %arg3[%dma_start3A_769, %dma_start3A_770] : memref<1000000x128xf32, #tpu.memory_space<hbm>> -> memref<1000000x128xf32, #tpu.memory_space<hbm>>
        tpu.enqueue_indirect_dma source(%dma_start3A_771 : memref<1000000x128xf32, #tpu.memory_space<hbm>>) target(%dma_start3A_766 : memref<64x128xf32, #tpu.memory_space<vmem>>) offsets(%dma_start3A_768 : memref<64xi32, #tpu.memory_space<vmem>>) semaphore(%arg9 : memref<!tpu.dma_semaphore, #tpu.memory_space<semaphore_mem>>)
      } else {
      }
      %mul3A_602 = arith.constant 100 : i32
      %mul3A_603 = arith.muli %add3A, %mul3A_602 : i32
      %add3A_604 = arith.addi %mul3A_603, %add3A_483 : i32
      %jit3A_605 = arith.constant 64 : i32
      %div3A_606 = arith.divsi %add3A_604, %jit3A_605 : i32
      %sign3A_607 = arith.constant 0 : i32
      %sign3A_608 = arith.cmpi sgt, %add3A_604, %sign3A_607 : i32
      %sign3A_609 = arith.extui %sign3A_608 : i1 to i32
      %sign3A_610 = arith.constant 0 : i32
      %sign3A_611 = arith.cmpi slt, %add3A_604, %sign3A_610 : i32
      %sign3A_612 = arith.extui %sign3A_611 : i1 to i32
      %sign3A_613 = arith.subi %sign3A_609, %sign3A_612 : i32
      %sign3A_614 = arith.constant 0 : i32
      %sign3A_615 = arith.cmpi sgt, %jit3A_605, %sign3A_614 : i32
      %sign3A_616 = arith.extui %sign3A_615 : i1 to i32
      %sign3A_617 = arith.constant 0 : i32
      %sign3A_618 = arith.cmpi slt, %jit3A_605, %sign3A_617 : i32
      %sign3A_619 = arith.extui %sign3A_618 : i1 to i32
      %sign3A_620 = arith.subi %sign3A_616, %sign3A_619 : i32
      %ne3A_621 = arith.cmpi ne, %sign3A_613, %sign3A_620 : i32
      %rem3A_622 = arith.remsi %add3A_604, %jit3A_605 : i32
      %ne3A_623 = arith.constant 0 : i32
      %ne3A_624 = arith.cmpi ne, %rem3A_622, %ne3A_623 : i32
      %and3A_625 = arith.andi %ne3A_621, %ne3A_624 : i1
      %sub3A_626 = arith.constant 1 : i32
      %sub3A_627 = arith.subi %div3A_606, %sub3A_626 : i32
      %select_n3A_628 = arith.select %and3A_625, %sub3A_627, %div3A_606 : i32
      %jit3A_629 = arith.constant 64 : i32
      %eq3A_630 = arith.constant 0 : i32
      %eq3A_631 = arith.cmpi eq, %jit3A_629, %eq3A_630 : i32
      %jit3A_632 = arith.constant 1 : i32
      %select_n3A_633 = arith.select %eq3A_631, %jit3A_632, %jit3A_629 : i32
      %rem3A_634 = arith.remsi %add3A_604, %select_n3A_633 : i32
      %ne3A_635 = arith.constant 0 : i32
      %ne3A_636 = arith.cmpi ne, %rem3A_634, %ne3A_635 : i32
      %lt3A_637 = arith.constant 0 : i32
      %lt3A_638 = arith.cmpi slt, %rem3A_634, %lt3A_637 : i32
      %lt3A_639 = arith.constant 0 : i32
      %lt3A_640 = arith.cmpi slt, %select_n3A_633, %lt3A_639 : i32
      %ne3A_641 = arith.xori %lt3A_638, %lt3A_640 : i1
      %and3A_642 = arith.andi %ne3A_641, %ne3A_636 : i1
      %add3A_643 = arith.addi %rem3A_634, %select_n3A_633 : i32
      %select_n3A_644 = arith.select %and3A_642, %add3A_643, %rem3A_634 : i32
      %shift_right_arithmetic3A_645 = arith.constant 1 : i32
      %shift_right_arithmetic3A_646 = arith.shrsi %select_n3A_644, %shift_right_arithmetic3A_645 : i32
      %and3A_647 = arith.constant 1 : i32
      %and3A_648 = arith.andi %select_n3A_644, %and3A_647 : i32
      %mul3A_649 = arith.constant 64 : i32
      %mul3A_650 = arith.muli %and3A_648, %mul3A_649 : i32
      %dma_start3A_651 = arith.constant 1 : i32
      %dma_start3A_652 = arith.constant 0 : i32
      %dma_start3A_653 = arith.constant 0 : i32
      %dma_start3A_654 = arith.constant 0 : i32
      %dma_start3A_655 = tpu.memref_slice %arg7[%dma_start3A_651, %dma_start3A_652, %dma_start3A_653, %dma_start3A_654] : memref<2x8x8x128xf32, #tpu.memory_space<vmem>> -> memref<1x8x8x64xf32, #tpu.memory_space<vmem>>
      %dma_start3A_656 = tpu.memref_squeeze %dma_start3A_655 : memref<1x8x8x64xf32, #tpu.memory_space<vmem>> -> memref<8x8x64xf32, #tpu.memory_space<vmem>>
      %dma_start3A_657 = arith.constant 0 : i32
      %dma_start3A_658 = arith.constant 0 : i32
      %dma_start3A_659 = tpu.memref_slice %arg4[%select_n3A_628, %dma_start3A_657, %shift_right_arithmetic3A_646, %dma_start3A_658, %mul3A_650] : memref<50x8x32x8x128xf32, #tpu.memory_space<hbm>> -> memref<1x8x1x8x64xf32, #tpu.memory_space<hbm>>
      %dma_start3A_660 = tpu.memref_squeeze %dma_start3A_659 : memref<1x8x1x8x64xf32, #tpu.memory_space<hbm>> -> memref<8x8x64xf32, #tpu.memory_space<hbm>>
      %dma_start3A_661 = arith.constant 0 : i32
      %dma_start3A_662 = arith.constant 0 : i32
      %dma_start3A_663 = tpu.memref_slice %arg4[%select_n3A_628, %dma_start3A_661, %shift_right_arithmetic3A_646, %dma_start3A_662, %mul3A_650] : memref<50x8x32x8x128xf32, #tpu.memory_space<hbm>> -> memref<1x8x1x8x64xf32, #tpu.memory_space<hbm>>
      %dma_start3A_664 = tpu.memref_squeeze %dma_start3A_663 : memref<1x8x1x8x64xf32, #tpu.memory_space<hbm>> -> memref<8x8x64xf32, #tpu.memory_space<hbm>>
      %dma_start3A_665 = arith.constant 0 : i32
      %dma_start3A_666 = arith.constant 0 : i32
      %dma_start3A_667 = arith.constant 0 : i32
      %dma_start3A_668 = tpu.memref_slice %arg7[%dma_start3A_651, %dma_start3A_665, %dma_start3A_666, %dma_start3A_667] : memref<2x8x8x128xf32, #tpu.memory_space<vmem>> -> memref<1x8x8x64xf32, #tpu.memory_space<vmem>>
      %dma_start3A_669 = tpu.memref_squeeze %dma_start3A_668 : memref<1x8x8x64xf32, #tpu.memory_space<vmem>> -> memref<8x8x64xf32, #tpu.memory_space<vmem>>
      tpu.enqueue_dma source(%dma_start3A_669 : memref<8x8x64xf32, #tpu.memory_space<vmem>>) target(%dma_start3A_664 : memref<8x8x64xf32, #tpu.memory_space<hbm>>) target_semaphore(%arg11 : memref<!tpu.dma_semaphore, #tpu.memory_space<semaphore_mem>>)
    }
    %scan3A_164 = arith.constant 50 : i32
    %mul3A_165 = arith.constant 100 : i32
    %mul3A_166 = arith.muli %add3A, %mul3A_165 : i32
    %add3A_167 = arith.constant 98 : i32
    %add3A_168 = arith.addi %mul3A_166, %add3A_167 : i32
    %jit3A = arith.constant 64 : i32
    %div3A = arith.divsi %add3A_168, %jit3A : i32
    %sign3A = arith.constant 0 : i32
    %sign3A_169 = arith.cmpi sgt, %add3A_168, %sign3A : i32
    %sign3A_170 = arith.extui %sign3A_169 : i1 to i32
    %sign3A_171 = arith.constant 0 : i32
    %sign3A_172 = arith.cmpi slt, %add3A_168, %sign3A_171 : i32
    %sign3A_173 = arith.extui %sign3A_172 : i1 to i32
    %sign3A_174 = arith.subi %sign3A_170, %sign3A_173 : i32
    %sign3A_175 = arith.constant 0 : i32
    %sign3A_176 = arith.cmpi sgt, %jit3A, %sign3A_175 : i32
    %sign3A_177 = arith.extui %sign3A_176 : i1 to i32
    %sign3A_178 = arith.constant 0 : i32
    %sign3A_179 = arith.cmpi slt, %jit3A, %sign3A_178 : i32
    %sign3A_180 = arith.extui %sign3A_179 : i1 to i32
    %sign3A_181 = arith.subi %sign3A_177, %sign3A_180 : i32
    %ne3A = arith.cmpi ne, %sign3A_174, %sign3A_181 : i32
    %rem3A = arith.remsi %add3A_168, %jit3A : i32
    %ne3A_182 = arith.constant 0 : i32
    %ne3A_183 = arith.cmpi ne, %rem3A, %ne3A_182 : i32
    %and3A_184 = arith.andi %ne3A, %ne3A_183 : i1
    %sub3A = arith.constant 1 : i32
    %sub3A_185 = arith.subi %div3A, %sub3A : i32
    %select_n3A = arith.select %and3A_184, %sub3A_185, %div3A : i32
    %jit3A_186 = arith.constant 64 : i32
    %eq3A = arith.constant 0 : i32
    %eq3A_187 = arith.cmpi eq, %jit3A_186, %eq3A : i32
    %jit3A_188 = arith.constant 1 : i32
    %select_n3A_189 = arith.select %eq3A_187, %jit3A_188, %jit3A_186 : i32
    %rem3A_190 = arith.remsi %add3A_168, %select_n3A_189 : i32
    %ne3A_191 = arith.constant 0 : i32
    %ne3A_192 = arith.cmpi ne, %rem3A_190, %ne3A_191 : i32
    %lt3A = arith.constant 0 : i32
    %lt3A_193 = arith.cmpi slt, %rem3A_190, %lt3A : i32
    %lt3A_194 = arith.constant 0 : i32
    %lt3A_195 = arith.cmpi slt, %select_n3A_189, %lt3A_194 : i32
    %ne3A_196 = arith.xori %lt3A_193, %lt3A_195 : i1
    %and3A_197 = arith.andi %ne3A_196, %ne3A_192 : i1
    %add3A_198 = arith.addi %rem3A_190, %select_n3A_189 : i32
    %select_n3A_199 = arith.select %and3A_197, %add3A_198, %rem3A_190 : i32
    %shift_right_arithmetic3A_200 = arith.constant 1 : i32
    %shift_right_arithmetic3A_201 = arith.shrsi %select_n3A_199, %shift_right_arithmetic3A_200 : i32
    %and3A_202 = arith.constant 1 : i32
    %and3A_203 = arith.andi %select_n3A_199, %and3A_202 : i32
    %mul3A_204 = arith.constant 64 : i32
    %mul3A_205 = arith.muli %and3A_203, %mul3A_204 : i32
    %dma_wait3A = arith.constant 0 : i32
    %dma_wait3A_206 = arith.constant 0 : i32
    %dma_wait3A_207 = arith.constant 0 : i32
    %dma_wait3A_208 = arith.constant 0 : i32
    %dma_wait3A_209 = tpu.memref_slice %arg7[%dma_wait3A, %dma_wait3A_206, %dma_wait3A_207, %dma_wait3A_208] : memref<2x8x8x128xf32, #tpu.memory_space<vmem>> -> memref<1x8x8x64xf32, #tpu.memory_space<vmem>>
    %dma_wait3A_210 = tpu.memref_squeeze %dma_wait3A_209 : memref<1x8x8x64xf32, #tpu.memory_space<vmem>> -> memref<8x8x64xf32, #tpu.memory_space<vmem>>
    %dma_wait3A_211 = arith.constant 0 : i32
    %dma_wait3A_212 = arith.constant 0 : i32
    %dma_wait3A_213 = tpu.memref_slice %arg4[%select_n3A, %dma_wait3A_211, %shift_right_arithmetic3A_201, %dma_wait3A_212, %mul3A_205] : memref<50x8x32x8x128xf32, #tpu.memory_space<hbm>> -> memref<1x8x1x8x64xf32, #tpu.memory_space<hbm>>
    %dma_wait3A_214 = tpu.memref_squeeze %dma_wait3A_213 : memref<1x8x1x8x64xf32, #tpu.memory_space<hbm>> -> memref<8x8x64xf32, #tpu.memory_space<hbm>>
    %dma_wait3A_215 = arith.constant 0 : i32
    %dma_wait3A_216 = arith.constant 0 : i32
    %dma_wait3A_217 = tpu.memref_slice %arg4[%select_n3A, %dma_wait3A_215, %shift_right_arithmetic3A_201, %dma_wait3A_216, %mul3A_205] : memref<50x8x32x8x128xf32, #tpu.memory_space<hbm>> -> memref<1x8x1x8x64xf32, #tpu.memory_space<hbm>>
    %dma_wait3A_218 = tpu.memref_squeeze %dma_wait3A_217 : memref<1x8x1x8x64xf32, #tpu.memory_space<hbm>> -> memref<8x8x64xf32, #tpu.memory_space<hbm>>
    %dma_wait3A_219 = arith.constant 0 : i32
    %dma_wait3A_220 = arith.constant 0 : i32
    %dma_wait3A_221 = arith.constant 0 : i32
    %dma_wait3A_222 = tpu.memref_slice %arg7[%dma_wait3A, %dma_wait3A_219, %dma_wait3A_220, %dma_wait3A_221] : memref<2x8x8x128xf32, #tpu.memory_space<vmem>> -> memref<1x8x8x64xf32, #tpu.memory_space<vmem>>
    %dma_wait3A_223 = tpu.memref_squeeze %dma_wait3A_222 : memref<1x8x8x64xf32, #tpu.memory_space<vmem>> -> memref<8x8x64xf32, #tpu.memory_space<vmem>>
    tpu.wait_dma2 semaphore(%arg10 : memref<!tpu.dma_semaphore, #tpu.memory_space<semaphore_mem>>) src(%dma_wait3A_223 : memref<8x8x64xf32, #tpu.memory_space<vmem>>) dst(%dma_wait3A_218 : memref<8x8x64xf32, #tpu.memory_space<hbm>>)
    %mul3A_224 = arith.constant 100 : i32
    %mul3A_225 = arith.muli %add3A, %mul3A_224 : i32
    %add3A_226 = arith.constant 99 : i32
    %add3A_227 = arith.addi %mul3A_225, %add3A_226 : i32
    %jit3A_228 = arith.constant 64 : i32
    %div3A_229 = arith.divsi %add3A_227, %jit3A_228 : i32
    %sign3A_230 = arith.constant 0 : i32
    %sign3A_231 = arith.cmpi sgt, %add3A_227, %sign3A_230 : i32
    %sign3A_232 = arith.extui %sign3A_231 : i1 to i32
    %sign3A_233 = arith.constant 0 : i32
    %sign3A_234 = arith.cmpi slt, %add3A_227, %sign3A_233 : i32
    %sign3A_235 = arith.extui %sign3A_234 : i1 to i32
    %sign3A_236 = arith.subi %sign3A_232, %sign3A_235 : i32
    %sign3A_237 = arith.constant 0 : i32
    %sign3A_238 = arith.cmpi sgt, %jit3A_228, %sign3A_237 : i32
    %sign3A_239 = arith.extui %sign3A_238 : i1 to i32
    %sign3A_240 = arith.constant 0 : i32
    %sign3A_241 = arith.cmpi slt, %jit3A_228, %sign3A_240 : i32
    %sign3A_242 = arith.extui %sign3A_241 : i1 to i32
    %sign3A_243 = arith.subi %sign3A_239, %sign3A_242 : i32
    %ne3A_244 = arith.cmpi ne, %sign3A_236, %sign3A_243 : i32
    %rem3A_245 = arith.remsi %add3A_227, %jit3A_228 : i32
    %ne3A_246 = arith.constant 0 : i32
    %ne3A_247 = arith.cmpi ne, %rem3A_245, %ne3A_246 : i32
    %and3A_248 = arith.andi %ne3A_244, %ne3A_247 : i1
    %sub3A_249 = arith.constant 1 : i32
    %sub3A_250 = arith.subi %div3A_229, %sub3A_249 : i32
    %select_n3A_251 = arith.select %and3A_248, %sub3A_250, %div3A_229 : i32
    %jit3A_252 = arith.constant 64 : i32
    %eq3A_253 = arith.constant 0 : i32
    %eq3A_254 = arith.cmpi eq, %jit3A_252, %eq3A_253 : i32
    %jit3A_255 = arith.constant 1 : i32
    %select_n3A_256 = arith.select %eq3A_254, %jit3A_255, %jit3A_252 : i32
    %rem3A_257 = arith.remsi %add3A_227, %select_n3A_256 : i32
    %ne3A_258 = arith.constant 0 : i32
    %ne3A_259 = arith.cmpi ne, %rem3A_257, %ne3A_258 : i32
    %lt3A_260 = arith.constant 0 : i32
    %lt3A_261 = arith.cmpi slt, %rem3A_257, %lt3A_260 : i32
    %lt3A_262 = arith.constant 0 : i32
    %lt3A_263 = arith.cmpi slt, %select_n3A_256, %lt3A_262 : i32
    %ne3A_264 = arith.xori %lt3A_261, %lt3A_263 : i1
    %and3A_265 = arith.andi %ne3A_264, %ne3A_259 : i1
    %add3A_266 = arith.addi %rem3A_257, %select_n3A_256 : i32
    %select_n3A_267 = arith.select %and3A_265, %add3A_266, %rem3A_257 : i32
    %shift_right_arithmetic3A_268 = arith.constant 1 : i32
    %shift_right_arithmetic3A_269 = arith.shrsi %select_n3A_267, %shift_right_arithmetic3A_268 : i32
    %and3A_270 = arith.constant 1 : i32
    %and3A_271 = arith.andi %select_n3A_267, %and3A_270 : i32
    %mul3A_272 = arith.constant 64 : i32
    %mul3A_273 = arith.muli %and3A_271, %mul3A_272 : i32
    %dma_wait3A_274 = arith.constant 1 : i32
    %dma_wait3A_275 = arith.constant 0 : i32
    %dma_wait3A_276 = arith.constant 0 : i32
    %dma_wait3A_277 = arith.constant 0 : i32
    %dma_wait3A_278 = tpu.memref_slice %arg7[%dma_wait3A_274, %dma_wait3A_275, %dma_wait3A_276, %dma_wait3A_277] : memref<2x8x8x128xf32, #tpu.memory_space<vmem>> -> memref<1x8x8x64xf32, #tpu.memory_space<vmem>>
    %dma_wait3A_279 = tpu.memref_squeeze %dma_wait3A_278 : memref<1x8x8x64xf32, #tpu.memory_space<vmem>> -> memref<8x8x64xf32, #tpu.memory_space<vmem>>
    %dma_wait3A_280 = arith.constant 0 : i32
    %dma_wait3A_281 = arith.constant 0 : i32
    %dma_wait3A_282 = tpu.memref_slice %arg4[%select_n3A_251, %dma_wait3A_280, %shift_right_arithmetic3A_269, %dma_wait3A_281, %mul3A_273] : memref<50x8x32x8x128xf32, #tpu.memory_space<hbm>> -> memref<1x8x1x8x64xf32, #tpu.memory_space<hbm>>
    %dma_wait3A_283 = tpu.memref_squeeze %dma_wait3A_282 : memref<1x8x1x8x64xf32, #tpu.memory_space<hbm>> -> memref<8x8x64xf32, #tpu.memory_space<hbm>>
    %dma_wait3A_284 = arith.constant 0 : i32
    %dma_wait3A_285 = arith.constant 0 : i32
    %dma_wait3A_286 = tpu.memref_slice %arg4[%select_n3A_251, %dma_wait3A_284, %shift_right_arithmetic3A_269, %dma_wait3A_285, %mul3A_273] : memref<50x8x32x8x128xf32, #tpu.memory_space<hbm>> -> memref<1x8x1x8x64xf32, #tpu.memory_space<hbm>>
    %dma_wait3A_287 = tpu.memref_squeeze %dma_wait3A_286 : memref<1x8x1x8x64xf32, #tpu.memory_space<hbm>> -> memref<8x8x64xf32, #tpu.memory_space<hbm>>
    %dma_wait3A_288 = arith.constant 0 : i32
    %dma_wait3A_289 = arith.constant 0 : i32
    %dma_wait3A_290 = arith.constant 0 : i32
    %dma_wait3A_291 = tpu.memref_slice %arg7[%dma_wait3A_274, %dma_wait3A_288, %dma_wait3A_289, %dma_wait3A_290] : memref<2x8x8x128xf32, #tpu.memory_space<vmem>> -> memref<1x8x8x64xf32, #tpu.memory_space<vmem>>
    %dma_wait3A_292 = tpu.memref_squeeze %dma_wait3A_291 : memref<1x8x8x64xf32, #tpu.memory_space<vmem>> -> memref<8x8x64xf32, #tpu.memory_space<vmem>>
    tpu.wait_dma2 semaphore(%arg11 : memref<!tpu.dma_semaphore, #tpu.memory_space<semaphore_mem>>) src(%dma_wait3A_292 : memref<8x8x64xf32, #tpu.memory_space<vmem>>) dst(%dma_wait3A_287 : memref<8x8x64xf32, #tpu.memory_space<hbm>>)
    return
  }
}

</mosaic_0001>

<sc_bundles>
// kernel: kernel.3.cloned.1.call-start
scs
__scs_entry_jumppad:
0x0: {  	(pc) =	sbr.rel $0x88, $3  }
0x1: {  	(tag) =	ssettag $0x0;
	lr =	simm.s32 $0x1  }
0x2: {  	[smem:$0x3F9F] =	sst lr;
	_ =	strace $0xD0000000  }
0x3: {  	_ = 	snop  }
0x4: {  	_ = 	snop  }
0x5: {  	_ = 	snop  }
0x6: {  	_ = 	snop  }
0x7: {  	_ = 	snop  }
__scs_overlays_trampoline_lowered:
0x8: {  	[smem:$0x3FAE] =	sst s0  }
0x9: {  	[smem:$0x3FAF] =	sst s1  }
0xa: {  	[smem:$0x3FB0] =	sst s2  }
0xb: {  	[smem:$0x3FB1] =	sst s3  }
0xc: {  	[smem:$0x3FB2] =	sst s4  }
0xd: {  	[smem:$0x3FB3] =	sst s5  }
0xe: {  	[smem:$0x3FB4] =	sst s6  }
0xf: {  	[smem:$0x3FB5] =	sst s7  }
0x10: {  	[smem:$0x3FB6] =	sst s8  }
0x11: {  	[smem:$0x3FB7] =	sst s9;
	s0 =	simm.s32 @!p0 $0x0  }
0x12: {  	s1 =	sld [smem:$0x3F9D];
	s0 =	simm.s32 @p0 $0x1  }
0x13: {  	[smem:$0x3FB8] =	sst s0;
	s0 =	simm.s32 @!p1 $0x0  }
0x14: {  	s2 =	sld [smem:$0x3F9C];
	s0 =	simm.s32 @p1 $0x1  }
0x15: {  	[smem:$0x3FB9] =	sst s0;
	s0 =	simm.s32 @!p2 $0x0  }
0x16: {  	s3 =	sld [smem:$0x3FDB];
	s0 =	simm.s32 @p2 $0x1  }
0x17: {  	s4 =	simm.s32 $0x1BF5;
	[smem:$0x3FBB] =	sst s0  }
0x18: {  	s0 =	sld [smem:$0x3F9E];
	_ =	swait.ge [sflag:s4], $0x0  }
0x19: {  	s7 =	sld [smem:$0x3F9F]  }
0x1a: {  	s8 =	sadd.s32 $0xFFFFE003, lr  }
0x1b: {  	s9 =	sadd.s32 $0xFFFFFEF7, lr;
	s5 =	simm.s32 $0xFFFFFFFF;
	p2 =	slt.u32 s8, $0xFFFFF086  }
0x1c: {  	p1 =	slt.u32 s9, $0xF7A;
	s5 =	simm.s32 @!p2 $0x0  }
0x1d: {  	s5 =	simm.s32 @p1 $0x1;
	p0 =	seq.s32 s7, s2  }
0x1e: {  	s7 =	smul.u32 @!p0 $0xF7A, s2;
	p2 =	seq.s32 @!p0 s5, $0x0  }
0x1f: {  	s9 =	smul.u32 $0xF7A, s1;
	s8 =	simm.s32 @!p0 $0x1BF5;
	p2 =	por !p2, p0  }
0x20: {  	[sflag:s8] =	ssyncset.s32 @!p0 $0xFFFFF086;
	s6 =	sadd.s32 @!p0 s3, s7;
	s7 =	simm.s32 @!p0 $0x108  }
0x21: {  	s3 =	sadd.s32 s3, s9;
	s6 =	sadd.s32 @!p0 $0x88, s6;
	s7 =	simm.s32 @p2 $0x1082  }
0x22: {  	[simem:s7], [sflag:s8] =	dma.local @!p0 [hbm:s6], $0xF7A  }
0x23: {  	s9 =	sor.u32 $0xD0000000, s2;
	s6 =	simm.s32 $0x108;
	_ =	swait.ge @!p0 [sflag:s8], $0x0  }
0x24: {  	s3 =	sadd.s32 $0x88, s3;
	s6 =	simm.s32 @!p1 $0x1082;
	[sflag:s4] =	ssyncset.s32 $0xFFFFF086  }
0x25: {  	[simem:s6], [sflag:s4] =	dma.local [hbm:s3], $0xF7A  }
0x26: {  	[smem:$0x3F9F] =	sst s1;
	(tag) =	ssettag s2;
	_ =	strace s9  }
0x27: {  	s1 =	sld [smem:$0x3FAF]  }
0x28: {  	s2 =	sld [smem:$0x3FB0]  }
0x29: {  	s4 =	sld [smem:$0x3FB2]  }
0x2a: {  	p0 =	seq.s32 s5, $0x0;
	s5 =	sld [smem:$0x3FB3]  }
0x2b: {  	s6 =	sld [smem:$0x3FB4]  }
0x2c: {  	s7 =	sld [smem:$0x3FB5]  }
0x2d: {  	s3 =	simm.s32 $0x108;
	s8 =	sld [smem:$0x3FB6]  }
0x2e: {  	s3 =	simm.s32 @!p0 $0x1082;
	s9 =	sld [smem:$0x3FB7]  }
0x2f: {  	lr =	sadd.s32 s0, s3;
	s0 =	sld [smem:$0x3FAE]  }
0x30: {  	s3 =	sld [smem:$0x3FB1]  }
0x31: {  	[smem:$0x3FBA] =	sst s10  }
0x32: {  	s10 =	sld [smem:$0x3FB8];
	_ =	sdelay $0x3  }
0x33: {  	p0 =	seq.s32 s10, $0x1;
	s10 =	sld [smem:$0x3FBA];
	_ =	sdelay $0x3  }
0x34: {  	[smem:$0x3FBA] =	sst s10  }
0x35: {  	s10 =	sld [smem:$0x3FB9];
	_ =	sdelay $0x3  }
0x36: {  	p1 =	seq.s32 s10, $0x1;
	s10 =	sld [smem:$0x3FBA];
	_ =	sdelay $0x3  }
0x37: {  	[smem:$0x3FBA] =	sst s10  }
0x38: {  	s10 =	sld [smem:$0x3FBB]  }
0x39: {  	_ = 	snop;
	(pc) =	sbr.ind lr, $3  }
0x3a: {  	_ = 	snop  }
0x3b: {  	_ = 	snop  }
0x3c: {  	p2 =	seq.s32 s10, $0x1;
	s10 =	sld [smem:$0x3FBA]  }
0x3d: {  	_ =	shalt  }
0x3e: {  	_ =	shalt  }
0x3f: {  	_ =	shalt  }
0x40: {  	_ =	shalt  }
0x41: {  	_ =	shalt  }
0x42: {  	_ =	shalt  }
0x43: {  	_ =	shalt  }
0x44: {  	_ =	shalt  }
0x45: {  	_ =	shalt  }
0x46: {  	_ =	shalt  }
0x47: {  	_ =	shalt  }
0x48: {  	_ =	shalt  }
0x49: {  	_ =	shalt  }
0x4a: {  	_ =	shalt  }
0x4b: {  	_ =	shalt  }
0x4c: {  	_ =	shalt  }
0x4d: {  	_ =	shalt  }
0x4e: {  	_ =	shalt  }
0x4f: {  	_ =	shalt  }
0x50: {  	_ =	shalt  }
0x51: {  	_ =	shalt  }
0x52: {  	_ =	shalt  }
0x53: {  	_ =	shalt  }
0x54: {  	_ =	shalt  }
0x55: {  	_ =	shalt  }
0x56: {  	_ =	shalt  }
0x57: {  	_ =	shalt  }
0x58: {  	_ =	shalt  }
0x59: {  	_ =	shalt  }
0x5a: {  	_ =	shalt  }
0x5b: {  	_ =	shalt  }
0x5c: {  	_ =	shalt  }
0x5d: {  	_ =	shalt  }
0x5e: {  	_ =	shalt  }
0x5f: {  	_ =	shalt  }
0x60: {  	_ =	shalt  }
0x61: {  	_ =	shalt  }
0x62: {  	_ =	shalt  }
0x63: {  	_ =	shalt  }
0x64: {  	_ =	shalt  }
0x65: {  	_ =	shalt  }
0x66: {  	_ =	shalt  }
0x67: {  	_ =	shalt  }
0x68: {  	_ =	shalt  }
0x69: {  	_ =	shalt  }
0x6a: {  	_ =	shalt  }
0x6b: {  	_ =	shalt  }
0x6c: {  	_ =	shalt  }
0x6d: {  	_ =	shalt  }
0x6e: {  	_ =	shalt  }
0x6f: {  	_ =	shalt  }
0x70: {  	_ =	shalt  }
0x71: {  	_ =	shalt  }
0x72: {  	_ =	shalt  }
0x73: {  	_ =	shalt  }
0x74: {  	_ =	shalt  }
0x75: {  	_ =	shalt  }
0x76: {  	_ =	shalt  }
0x77: {  	_ =	shalt  }
0x78: {  	_ =	shalt  }
0x79: {  	_ =	shalt  }
0x7a: {  	_ =	shalt  }
0x7b: {  	_ =	shalt  }
0x7c: {  	_ =	shalt  }
0x7d: {  	_ =	shalt  }
0x7e: {  	_ =	shalt  }
0x7f: {  	_ =	shalt  }
0x80: {  	_ =	shalt  }
0x81: {  	_ =	shalt  }
0x82: {  	_ =	shalt  }
0x83: {  	_ =	shalt  }
0x84: {  	_ =	shalt  }
0x85: {  	_ =	shalt  }
0x86: {  	_ =	shalt  }
0x87: {  	_ =	shalt  }
.Lfunc_end0:
.L_simem_size_0:
called_computation_lowered:
.L_overlay_start_0:
0x88: {  	s2 =	sld [smem:$0x3FD9]  }
0x89: {  	s3 =	sld [smem:$0x3FFE];
	_ =	sdelay $0x1  }
0x8a: {  	s1 =	srdreg.scid  }
0x8b: {  	s0 =	sand.u32 $0x1, s1  }
0x8c: {  	s17 =	sshll.u32 s0, $0xA;
	s2 =	sadd.s32 s3, s2  }
0x8d: {  	s2 =	sadd.s32 s2, s17  }
0x8e: {  	[smem:$0x3FC6] =	sst s2  }
0x8f: {  	_ = 	snop  }
0x90: {  	s2 =	sld [smem:$0x3FC9]  }
0x91: {  	s18 =	sld [smem:$0x3FD0];
	(tm) =	ssettm $0x1  }
0x92: {  	s4 =	sld [smem:$0x3FFB];
	_ =	sdelay $0x3  }
0x93: {  	_ =	strace s4  }
0x94: {  	s4 =	sld [smem:$0x3FFC];
	_ =	sdelay $0x3  }
0x95: {  	_ =	strace s4  }
0x96: {  	s4 =	sld [smem:$0x3FFD];
	_ =	sdelay $0x3  }
0x97: {  	_ =	strace s4  }
0x98: {  	_ =	strace $0x8FFFFFFF  }
0x99: {  	s19 =	sld [smem:$0x3FDB];
	_ =	sdelay $0x1  }
0x9a: {  	s5 =	simm.s32 $_scs_section_size  }
0x9b: {  	s6 =	simm.s32 $_size__tile_overlayer_lowered;
	s7 =	simm.s32 $_tile_overlayer_lowered  }
0x9c: {  	s22 =	simm.s32 $0x1BFF;
	s21 =	sshll.u32 s7, $0x1;
	s4 =	sadd.s32 s5, s19  }
0x9d: {  	s8 =	simm.s32 $0x0;
	s20 =	sshll.u32 s6, $0x1;
	s6 =	sadd.s32 s21, s4  }
0x9e: {  	[timem:s8], [sflag:s22] =	dma.local [hbm:s6], s20  }
0x9f: {  	_ =	swait.ge [sflag:s22], s20  }
0xa0: {  	s5 =	ssub.s32 $0x0, s20;
	[sflag:s22] =	ssyncset.done $0x0  }
0xa1: {  	[sflag:s22] =	ssyncadd.s32 s5;
	_ =	sdelay $0x1  }
0xa2: {  	s23 =	simm.s32 $0x1B8B  }
0xa3: {  	_ =	swait.ge [sflag:s23], $0x1  }
0xa4: {  	[sflag:s23] =	ssyncset.done $0x0  }
0xa5: {  	s25 =	simm.s32 $0x1B8E;
	s24 =	sld [smem:$0x3FFE];
	[sflag:s23] =	ssyncadd.s32 $0xFFFFFFFF  }
0xa6: {  	s26 =	simm.s32 $execute0_lowered;
	[smem:$0x3FD2] =	sst s25  }
0xa7: {  	s6 =	sshll.u32 s26, $0x1;
	_ =	strace $0x80000046;
	[dreg:$0x1] =	wrdreg $0xFFFFFFFF  }
0xa8: {  	s28 =	simm.s32 $_size_execute0_lowered;
	s4 =	sadd.s32 s4, s6;
	[dreg:$0x0] =	wrdreg $0x0  }
0xa9: {  	s6 =	sshll.u32 s28, $0x1;
	[dreg:$0x2] =	wrdreg s4  }
0xaa: {  	[dreg:$0x3] =	wrdreg s6  }
0xab: {  	[dreg:$0x4] =	wrdreg $0xC0  }
0xac: {  	_ =	task [dreg:s8], $0x5FFFF  }
0xad: {  	[dreg:$0x1] =	wrdreg $0xFFFFFFFF  }
0xae: {  	[dreg:$0x0] =	wrdreg $0x60  }
0xaf: {  	[dreg:$0x2] =	wrdreg s2  }
0xb0: {  	[dreg:$0x3] =	wrdreg s24  }
0xb1: {  	[dreg:$0x4] =	wrdreg s18  }
0xb2: {  	[dreg:$0x5] =	wrdreg $0x9  }
0xb3: {  	_ =	task.clear_ibuf [dreg:s8], $0x6FFFF;
	_ =	strace $0x90000046  }
0xb4: {  	s29 =	simm.s32 $0x9;
	_ =	strace $0x80000048  }
0xb5: {  	_ =	swait.ge [sflag:s29], $0x1  }
0xb6: {  	[sflag:s29] =	ssyncadd.s32 $0xFFFFFFFF  }
0xb7: {  	_ =	strace $0x90000048  }
0xb8: {  	_ =	sfence  }
0xb9: {  	s30 =	sld [smem:$0x0];
	_ =	sdelay $0x2  }
0xba: {  	s31 =	sshll.u32 s1, $0xD;
	s1 =	sshrl.u32 s1, $0x2  }
0xbb: {  	s3 =	sand.u32 $0x4000, s31;
	s1 =	sadd.s32 s1, s30  }
0xbc: {  	s0 =	sor.u32 s3, s0;
	s1 =	sshll.u32 s1, $0x11  }
0xbd: {  	s0 =	sor.u32 s1, s0  }
0xbe: {  	s0 =	sadd.s32 $0x8F2B, s0  }
0xbf: {  	[sflag:s0] =	ssyncadd.remote.s32 $0x1  }
0xc0: {  	_ =	sfence.sel $0xFFFF  }
0xc1: {  	[dreg:$0x0] =	wrdreg $0xFFFFFFFF;
	(pc) =	sbr.abs _section_cstart, $3  }
0xc2: {  	[dreg:$0x1] =	wrdreg $0xFFFFFFFF  }
0xc3: {  	_ =	task.clear_ibuf [dreg:s8], $0x2FFFF;
	_ =	strace $0x9FFFFFFF  }
0xc4: {  	(tm) =	ssettm $0x7FFFFFFF  }
0xc5: {  	_ =	shalt  }
tec
execute0_lowered:
.L_overlay_start_1:
0x0: {  	(tag) =	ssettag $0x1  }
0x1: {  	s0 =	rddreg [dreg:$0x0]  }
0x2: {  	s1 =	rddreg [dreg:$0x1]  }
0x3: {  	s2 =	rddreg [dreg:$0x2]  }
0x4: {  	s3 =	srdreg.scid;
	s5 =	stileid.u32  }
0x5: {  	s9 =	simm.s32 $0x5;
	s10 =	simm.s32 $0x40;
	s28 =	simm.s32 $0x2  }
0x6: {  	s29 =	simm.s32 $0x18400;
	s30 =	simm.s32 $0x3;
	s31 =	simm.s32 $0x4  }
0x7: {  	s4 =	sand.u32 $0x1, s3;
	s5 =	sshll.u32 s5, $0x1;
	s3 =	simm.s32 $0x0  }
0x8: {  	s6 =	ssub.s32 $0x2, s4;
	s7 =	sor.u32 s4, s5;
	[smem:$0x7FF] =	sst s3  }
0x9: {  	v0 =	vlaneseq.u32;
	s4 =	sadd.s32 $0xF42800, s1;
	s25 =	sshrl.u32 s6, $0x1;
	s8 =	smul.u32 $0xC80, s7  }
0xa: {  	v0 =	vmul.u32 $0x80, v0;
	_ =	strace $0x80000047;
	s26 =	ssub.s32 s6, s25;
	s6 =	smul.u32 $0x64, s7  }
0xb: {  	s7 =	sadd.s32 $0x8, s2;
	s25 =	simm.s32 $0x1;
	s5 =	sadd.s32 s0, s8  }
0xc: {  	v1 =	vor.u32 $0x800, v0;
	v2 =	vor.u32 $0x1000, v0;
	v3 =	vor.u32 $0x1800, v0;
	s8 =	smax.u32 s26, $0x1;
	s26 =	simm.s32 $0x16400;
	s0 =	simm.s32 $0x0  }
.LBB2_1:
0xd: {  	[tilespmem:s3], [sflag:$0x5] =	stream.linear.gather [hbm4b:s5+s3], $0x6400, $0x38;
	[tilespmem:$0x1A400] =	vst v63  }
0xe: {  	_ =	swait.ge [sflag:s9], $0x6400  }
0xf: {  	[sflag:s9] =	ssyncset.done $0x0  }
0x10: {  	s1 =	simm.s32 $0x6400;
	[sflag:s9] =	ssyncadd.s32 $0xFFFF9C00  }
0x11: {  	[tilespmem:s1], [sflag:$0x1] =	stream.indirect.gather [hbm4b:s4+s10], $0x80, s3, s10, $0xb8;
	[tilespmem:$0x1A400] =	vst v63  }
0x12: {  	s13 =	simm.s32 $0x80;
	s11 =	simm.s32 $0x8400  }
0x13: {  	[tilespmem:s11], [sflag:$0x1] =	stream.indirect.gather [hbm4b:s4+s10], $0x80, s13, s10, $0xb8;
	[tilespmem:$0x1A400] =	vst v63  }
0x14: {  	s14 =	simm.s32 $0x100;
	s15 =	simm.s32 $0xA400  }
0x15: {  	[tilespmem:s15], [sflag:$0x1] =	stream.indirect.gather [hbm4b:s4+s10], $0x80, s14, s10, $0xb8;
	[tilespmem:$0x1A400] =	vst v63  }
0x16: {  	s16 =	simm.s32 $0x180;
	s17 =	simm.s32 $0xC400  }
0x17: {  	[tilespmem:s17], [sflag:$0x1] =	stream.indirect.gather [hbm4b:s4+s10], $0x80, s16, s10, $0xb8;
	[tilespmem:$0x1A400] =	vst v63  }
0x18: {  	s18 =	simm.s32 $0xE400  }
0x19: {  	[tilespmem:s18], [sflag:$0x2] =	stream.indirect.gather [hbm4b:s4+s10], $0x80, s10, s10, $0xb8;
	[tilespmem:$0x1A400] =	vst v63  }
0x1a: {  	s19 =	simm.s32 $0xC0;
	s20 =	simm.s32 $0x10400  }
0x1b: {  	[tilespmem:s20], [sflag:$0x2] =	stream.indirect.gather [hbm4b:s4+s10], $0x80, s19, s10, $0xb8;
	[tilespmem:$0x1A400] =	vst v63  }
0x1c: {  	s21 =	simm.s32 $0x140;
	s22 =	simm.s32 $0x12400  }
0x1d: {  	[tilespmem:s22], [sflag:$0x2] =	stream.indirect.gather [hbm4b:s4+s10], $0x80, s21, s10, $0xb8;
	[tilespmem:$0x1A400] =	vst v63  }
0x1e: {  	s23 =	simm.s32 $0x1C0;
	s24 =	simm.s32 $0x14400;
	s1 =	simm.s32 $0x0  }
0x1f: {  	[tilespmem:s24], [sflag:$0x2] =	stream.indirect.gather [hbm4b:s4+s10], $0x80, s23, s10, $0xb8;
	[tilespmem:$0x1A400] =	vst v63  }
.LBB2_2:
0x20: {  	_ =	swait.ge [sflag:s25], $0x2000  }
0x21: {  	[sflag:s25] =	ssyncset.done $0x0  }
0x22: {  	[sflag:s25] =	ssyncadd.s32 $0xFFFFE000  }
0x23: {  	_ =	swait.ge [sflag:s25], $0x2000  }
0x24: {  	[sflag:s25] =	ssyncset.done $0x0  }
0x25: {  	[sflag:s25] =	ssyncadd.s32 $0xFFFFE000  }
0x26: {  	_ =	swait.ge [sflag:s25], $0x2000  }
0x27: {  	[sflag:s25] =	ssyncset.done $0x0  }
0x28: {  	[sflag:s25] =	ssyncadd.s32 $0xFFFFE000  }
0x29: {  	_ =	swait.ge [sflag:s25], $0x2000  }
0x2a: {  	p1 =	seq.s32 s1, $0x0;
	[sflag:s25] =	ssyncset.done $0x0  }
0x2b: {  	s11 =	simm.s32 @!p1 $0x3;
	[sflag:s25] =	ssyncadd.s32 $0xFFFFE000  }
0x2c: {  	_ =	swait.ge @!p1 [sflag:s11], $0x1000  }
0x2d: {  	[sflag:s11] =	ssyncset.done @!p1 $0x0  }
0x2e: {  	s14 =	simm.s32 $0x0;
	[sflag:s11] =	ssyncadd.s32 @!p1 $0xFFFFF000  }
0x2f: {  	v4 =	vld [tilespmem:s14+$0x6400]  }
0x30: {  	v5 =	vld [tilespmem:s14+$0x8400];
	_ =	sdelay $0x1  }
0x31: {  	v6 =	vld [tilespmem:s14+$0xA400]  }
0x32: {  	s24 =	simm.s32 $0x0  }
0x33: {  	v8 =	vmov s24;
	v7 =	vld [tilespmem:s14+$0xC400]  }
0x34: {  	v4 =	vadd.f32 v5, v4;
	v5 =	vand.u32 $0x7E, v8  }
0x35: {  	v5 =	vbroadcast v5, $0x0  }
0x36: {  	v4 =	vadd.f32 v6, v4  }
0x37: {  	v6 =	vor.u32 v0, v5  }
0x38: {  	v4 =	vadd.f32 v7, v4;
	_ =	sdelay $0x1  }
0x39: {  	v4 =	vmul.f32 $2.500000000e-01, v4;
	_ =	sdelay $0x1  }
0x3a: {  	[tilespmem:v6+s26+$0x0] =	vst.idx.msk $0xffff, v4  }
0x3b: {  	v4 =	vld [tilespmem:s14+$0x6410]  }
0x3c: {  	v6 =	vld [tilespmem:s14+$0x8410];
	_ =	sdelay $0x1  }
0x3d: {  	v7 =	vld [tilespmem:s14+$0xA410];
	_ =	sdelay $0x1  }
0x3e: {  	v8 =	vld [tilespmem:s14+$0xC410]  }
0x3f: {  	v4 =	vadd.f32 v6, v4;
	_ =	sdelay $0x1  }
0x40: {  	v4 =	vadd.f32 v7, v4  }
0x41: {  	v6 =	vor.u32 v1, v5  }
0x42: {  	v4 =	vadd.f32 v8, v4;
	_ =	sdelay $0x1  }
0x43: {  	v4 =	vmul.f32 $2.500000000e-01, v4;
	_ =	sdelay $0x1  }
0x44: {  	[tilespmem:v6+s26+$0x0] =	vst.idx.msk $0xffff, v4  }
0x45: {  	v4 =	vld [tilespmem:s14+$0x6420]  }
0x46: {  	v6 =	vld [tilespmem:s14+$0x8420];
	_ =	sdelay $0x1  }
0x47: {  	v7 =	vld [tilespmem:s14+$0xA420];
	_ =	sdelay $0x1  }
0x48: {  	v8 =	vld [tilespmem:s14+$0xC420]  }
0x49: {  	v4 =	vadd.f32 v6, v4;
	_ =	sdelay $0x1  }
0x4a: {  	v4 =	vadd.f32 v7, v4  }
0x4b: {  	v6 =	vor.u32 v2, v5  }
0x4c: {  	v4 =	vadd.f32 v8, v4;
	_ =	sdelay $0x1  }
0x4d: {  	v4 =	vmul.f32 $2.500000000e-01, v4;
	_ =	sdelay $0x1  }
0x4e: {  	[tilespmem:v6+s26+$0x0] =	vst.idx.msk $0xffff, v4  }
0x4f: {  	v4 =	vld [tilespmem:s14+$0x6430]  }
0x50: {  	v6 =	vld [tilespmem:s14+$0x8430];
	_ =	sdelay $0x1  }
0x51: {  	v7 =	vld [tilespmem:s14+$0xA430];
	_ =	sdelay $0x1  }
0x52: {  	v8 =	vld [tilespmem:s14+$0xC430]  }
0x53: {  	v4 =	vadd.f32 v6, v4;
	_ =	sdelay $0x1  }
0x54: {  	v4 =	vadd.f32 v7, v4  }
0x55: {  	v5 =	vor.u32 v3, v5  }
0x56: {  	v4 =	vadd.f32 v8, v4;
	_ =	sdelay $0x1  }
0x57: {  	v4 =	vmul.f32 $2.500000000e-01, v4;
	_ =	sdelay $0x1  }
0x58: {  	[tilespmem:v5+s26+$0x0] =	vst.idx.msk $0xffff, v4  }
0x59: {  	v4 =	vld [tilespmem:s14+$0x6480]  }
0x5a: {  	v5 =	vld [tilespmem:s14+$0x8480];
	_ =	sdelay $0x1  }
0x5b: {  	v6 =	vld [tilespmem:s14+$0xA480]  }
0x5c: {  	s11 =	simm.s32 $0x1  }
0x5d: {  	v7 =	vmov s11;
	v8 =	vld [tilespmem:s14+$0xC480]  }
0x5e: {  	v5 =	vadd.f32 v5, v4;
	v4 =	vand.u32 $0x7F, v7  }
0x5f: {  	v4 =	vbroadcast v4, $0x0  }
0x60: {  	v5 =	vadd.f32 v6, v5  }
0x61: {  	v6 =	vor.u32 v0, v4  }
0x62: {  	v5 =	vadd.f32 v8, v5;
	_ =	sdelay $0x1  }
0x63: {  	v5 =	vmul.f32 $2.500000000e-01, v5;
	_ =	sdelay $0x1  }
0x64: {  	[tilespmem:v6+s26+$0x0] =	vst.idx.msk $0xffff, v5  }
0x65: {  	v5 =	vld [tilespmem:s14+$0x6490]  }
0x66: {  	v6 =	vld [tilespmem:s14+$0x8490];
	_ =	sdelay $0x1  }
0x67: {  	v7 =	vld [tilespmem:s14+$0xA490];
	_ =	sdelay $0x1  }
0x68: {  	v8 =	vld [tilespmem:s14+$0xC490]  }
0x69: {  	v5 =	vadd.f32 v6, v5;
	_ =	sdelay $0x1  }
0x6a: {  	v5 =	vadd.f32 v7, v5  }
0x6b: {  	v6 =	vor.u32 v1, v4  }
0x6c: {  	v5 =	vadd.f32 v8, v5;
	_ =	sdelay $0x1  }
0x6d: {  	v5 =	vmul.f32 $2.500000000e-01, v5;
	_ =	sdelay $0x1  }
0x6e: {  	[tilespmem:v6+s26+$0x0] =	vst.idx.msk $0xffff, v5  }
0x6f: {  	v5 =	vld [tilespmem:s14+$0x64A0]  }
0x70: {  	v6 =	vld [tilespmem:s14+$0x84A0];
	_ =	sdelay $0x1  }
0x71: {  	v7 =	vld [tilespmem:s14+$0xA4A0];
	_ =	sdelay $0x1  }
0x72: {  	v8 =	vld [tilespmem:s14+$0xC4A0]  }
0x73: {  	v5 =	vadd.f32 v6, v5;
	_ =	sdelay $0x1  }
0x74: {  	v5 =	vadd.f32 v7, v5  }
0x75: {  	v6 =	vor.u32 v2, v4  }
0x76: {  	v5 =	vadd.f32 v8, v5;
	_ =	sdelay $0x1  }
0x77: {  	v5 =	vmul.f32 $2.500000000e-01, v5;
	_ =	sdelay $0x1  }
0x78: {  	[tilespmem:v6+s26+$0x0] =	vst.idx.msk $0xffff, v5  }
0x79: {  	v5 =	vld [tilespmem:s14+$0x64B0]  }
0x7a: {  	v8 =	vld [tilespmem:s14+$0x84B0]  }
0x7b: {  	v7 =	vld [tilespmem:s14+$0xA4B0]  }
0x7c: {  	s12 =	sshll.u32 s1, $0x1;
	s13 =	simm.s32 $0x400;
	v6 =	vld [tilespmem:s14+$0xC4B0]  }
.LBB2_3:
0x7d: {  	p0 =	sne.s32 s13, $0x7C00  }
0x7e: {  	s11 =	sadd.s32 $0x2, s11;
	s14 =	smov.u32 s13;
	s13 =	sadd.s32 $0x400, s13  }
0x7f: {  	v5 =	vadd.f32 v8, v5;
	_ =	sdelay $0x1  }
0x80: {  	v4 =	vor.u32 v3, v4;
	v5 =	vadd.f32 v7, v5;
	_ =	sdelay $0x1  }
0x81: {  	v5 =	vadd.f32 v6, v5;
	_ =	sdelay $0x1  }
0x82: {  	v5 =	vmul.f32 $2.500000000e-01, v5  }
0x83: {  	s14 =	sshra.s32 s14, $0x2  }
0x84: {  	[tilespmem:v4+s26+$0x0] =	vst.idx.msk $0xffff, v5  }
0x85: {  	v4 =	vld [tilespmem:s14+$0x6400]  }
0x86: {  	v5 =	vld [tilespmem:s14+$0x8400]  }
0x87: {  	v6 =	vld [tilespmem:s14+$0xA400];
	_ =	sdelay $0x1  }
0x88: {  	s15 =	sadd.s32 $0xFFFFFFFF, s11;
	v7 =	vld [tilespmem:s14+$0xC400]  }
0x89: {  	v8 =	vmov s15  }
0x8a: {  	v4 =	vadd.f32 v5, v4;
	v5 =	vand.u32 $0x7E, v8  }
0x8b: {  	v5 =	vbroadcast v5, $0x0  }
0x8c: {  	v4 =	vadd.f32 v6, v4  }
0x8d: {  	v6 =	vor.u32 v0, v5  }
0x8e: {  	v4 =	vadd.f32 v7, v4;
	_ =	sdelay $0x1  }
0x8f: {  	v4 =	vmul.f32 $2.500000000e-01, v4;
	_ =	sdelay $0x1  }
0x90: {  	[tilespmem:v6+s26+$0x0] =	vst.idx.msk $0xffff, v4  }
0x91: {  	v4 =	vld [tilespmem:s14+$0x6410]  }
0x92: {  	v6 =	vld [tilespmem:s14+$0x8410];
	_ =	sdelay $0x1  }
0x93: {  	v7 =	vld [tilespmem:s14+$0xA410];
	_ =	sdelay $0x1  }
0x94: {  	v8 =	vld [tilespmem:s14+$0xC410]  }
0x95: {  	v4 =	vadd.f32 v6, v4;
	_ =	sdelay $0x1  }
0x96: {  	v4 =	vadd.f32 v7, v4  }
0x97: {  	v6 =	vor.u32 v1, v5  }
0x98: {  	v4 =	vadd.f32 v8, v4;
	_ =	sdelay $0x1  }
0x99: {  	v4 =	vmul.f32 $2.500000000e-01, v4;
	_ =	sdelay $0x1  }
0x9a: {  	[tilespmem:v6+s26+$0x0] =	vst.idx.msk $0xffff, v4  }
0x9b: {  	v4 =	vld [tilespmem:s14+$0x6420]  }
0x9c: {  	v6 =	vld [tilespmem:s14+$0x8420];
	_ =	sdelay $0x1  }
0x9d: {  	v7 =	vld [tilespmem:s14+$0xA420];
	_ =	sdelay $0x1  }
0x9e: {  	v8 =	vld [tilespmem:s14+$0xC420]  }
0x9f: {  	v4 =	vadd.f32 v6, v4;
	_ =	sdelay $0x1  }
0xa0: {  	v4 =	vadd.f32 v7, v4  }
0xa1: {  	v6 =	vor.u32 v2, v5  }
0xa2: {  	v4 =	vadd.f32 v8, v4;
	_ =	sdelay $0x1  }
0xa3: {  	v4 =	vmul.f32 $2.500000000e-01, v4;
	_ =	sdelay $0x1  }
0xa4: {  	[tilespmem:v6+s26+$0x0] =	vst.idx.msk $0xffff, v4  }
0xa5: {  	v4 =	vld [tilespmem:s14+$0x6430]  }
0xa6: {  	v6 =	vld [tilespmem:s14+$0x8430]  }
0xa7: {  	v7 =	vld [tilespmem:s14+$0xA430];
	_ =	sdelay $0x2  }
0xa8: {  	v8 =	vld [tilespmem:s14+$0xC430]  }
0xa9: {  	v4 =	vadd.f32 v6, v4;
	_ =	sdelay $0x1  }
0xaa: {  	v4 =	vadd.f32 v7, v4  }
0xab: {  	v5 =	vor.u32 v3, v5  }
0xac: {  	v4 =	vadd.f32 v8, v4;
	_ =	sdelay $0x1  }
0xad: {  	v4 =	vmul.f32 $2.500000000e-01, v4;
	_ =	sdelay $0x1  }
0xae: {  	[tilespmem:v5+s26+$0x0] =	vst.idx.msk $0xffff, v4  }
0xaf: {  	v4 =	vld [tilespmem:s14+$0x6480]  }
0xb0: {  	v5 =	vld [tilespmem:s14+$0x8480];
	_ =	sdelay $0x1  }
0xb1: {  	v6 =	vld [tilespmem:s14+$0xA480];
	_ =	sdelay $0x1  }
0xb2: {  	v7 =	vmov s11;
	v8 =	vld [tilespmem:s14+$0xC480]  }
0xb3: {  	v5 =	vadd.f32 v5, v4;
	v4 =	vand.u32 $0x7F, v7  }
0xb4: {  	v4 =	vbroadcast v4, $0x0  }
0xb5: {  	v5 =	vadd.f32 v6, v5  }
0xb6: {  	v6 =	vor.u32 v0, v4  }
0xb7: {  	v5 =	vadd.f32 v8, v5;
	_ =	sdelay $0x1  }
0xb8: {  	v5 =	vmul.f32 $2.500000000e-01, v5;
	_ =	sdelay $0x1  }
0xb9: {  	[tilespmem:v6+s26+$0x0] =	vst.idx.msk $0xffff, v5  }
0xba: {  	v5 =	vld [tilespmem:s14+$0x6490]  }
0xbb: {  	v6 =	vld [tilespmem:s14+$0x8490]  }
0xbc: {  	v7 =	vld [tilespmem:s14+$0xA490]  }
0xbd: {  	v8 =	vld [tilespmem:s14+$0xC490];
	_ =	sdelay $0x2  }
0xbe: {  	v5 =	vadd.f32 v6, v5;
	_ =	sdelay $0x1  }
0xbf: {  	v5 =	vadd.f32 v7, v5  }
0xc0: {  	v6 =	vor.u32 v1, v4  }
0xc1: {  	v5 =	vadd.f32 v8, v5;
	_ =	sdelay $0x1  }
0xc2: {  	v5 =	vmul.f32 $2.500000000e-01, v5;
	_ =	sdelay $0x1  }
0xc3: {  	[tilespmem:v6+s26+$0x0] =	vst.idx.msk $0xffff, v5  }
0xc4: {  	v5 =	vld [tilespmem:s14+$0x64A0]  }
0xc5: {  	v6 =	vld [tilespmem:s14+$0x84A0]  }
0xc6: {  	v7 =	vld [tilespmem:s14+$0xA4A0]  }
0xc7: {  	v8 =	vld [tilespmem:s14+$0xC4A0];
	_ =	sdelay $0x2  }
0xc8: {  	v5 =	vadd.f32 v6, v5;
	_ =	sdelay $0x1  }
0xc9: {  	v5 =	vadd.f32 v7, v5  }
0xca: {  	v6 =	vor.u32 v2, v4  }
0xcb: {  	v5 =	vadd.f32 v8, v5;
	_ =	sdelay $0x1  }
0xcc: {  	v5 =	vmul.f32 $2.500000000e-01, v5;
	_ =	sdelay $0x1  }
.Ltmp0:
0xcd: {  	[tilespmem:v6+s26+$0x0] =	vst.idx.msk $0xffff, v5;
	(pc) =	sbr.rel @p0 .LBB2_3-.Ltmp0, $4  }
0xce: {  	v5 =	vld [tilespmem:s14+$0x64B0]  }
0xcf: {  	v8 =	vld [tilespmem:s14+$0x84B0]  }
0xd0: {  	v7 =	vld [tilespmem:s14+$0xA4B0]  }
0xd1: {  	v6 =	vld [tilespmem:s14+$0xC4B0]  }
0xd2: {  	_ =	sdelay $0x1  }
0xd3: {  	v5 =	vadd.f32 v8, v5;
	_ =	sdelay $0x1  }
0xd4: {  	v5 =	vadd.f32 v7, v5  }
0xd5: {  	v4 =	vor.u32 v3, v4  }
0xd6: {  	v5 =	vadd.f32 v6, v5  }
0xd7: {  	p0 =	seq.s32 s1, $0x31  }
0xd8: {  	s11 =	sshll.u32 @!p0 s12, $0x8;
	v5 =	vmul.f32 $2.500000000e-01, v5  }
0xd9: {  	s13 =	sadd.s32 @!p0 $0x200, s11  }
0xda: {  	s14 =	simm.s32 @!p0 $0x40;
	s15 =	simm.s32 @!p0 $0x6400;
	s13 =	sand.u32 @!p0 $0xFE00, s13;
	[tilespmem:v4+s26+$0x0] =	vst.idx.msk $0xffff, v5  }
0xdb: {  	[tilespmem:s15], [sflag:$0x1] =	stream.indirect.gather @!p0 [hbm4b:s4+s14], $0x80, s13, s14, $0xb8;
	[tilespmem:$0x1A400] =	vst v63  }
0xdc: {  	s16 =	simm.s32 @!p0 $0x8400;
	s15 =	sor.u32 @!p0 $0x80, s13  }
0xdd: {  	[tilespmem:s16], [sflag:$0x1] =	stream.indirect.gather @!p0 [hbm4b:s4+s14], $0x80, s15, s14, $0xb8;
	[tilespmem:$0x1A400] =	vst v63  }
0xde: {  	s15 =	sor.u32 @!p0 $0x100, s13;
	s16 =	simm.s32 @!p0 $0xA400  }
0xdf: {  	[tilespmem:s16], [sflag:$0x1] =	stream.indirect.gather @!p0 [hbm4b:s4+s14], $0x80, s15, s14, $0xb8;
	[tilespmem:$0x1A400] =	vst v63  }
0xe0: {  	s16 =	sadd.s32 s6, s12  }
0xe1: {  	s13 =	sor.u32 @!p0 $0x180, s13;
	s15 =	simm.s32 @!p0 $0xC400;
	s17 =	sshll.u32 s16, $0x6  }
0xe2: {  	[tilespmem:s15], [sflag:$0x1] =	stream.indirect.gather @!p0 [hbm4b:s4+s14], $0x80, s13, s14, $0xb8;
	[tilespmem:$0x1A400] =	vst v63  }
0xe3: {  	s18 =	sshll.u32 s16, $0x9;
	s12 =	sand.u32 $0xF80, s17  }
0xe4: {  	s13 =	sand.u32 $0xFFF8000, s18;
	s19 =	sadd.s32 s2, s12  }
0xe5: {  	s14 =	sadd.s32 s13, s19  }
0xe6: {  	s20 =	simm.s32 $0x16400;
	s19 =	sadd.s32 $0x0, s14  }
0xe7: {  	[hbm4b:s19+s3] =	stream.linear.scatter [tilespmem:s20], [sflag:$0x3], $0x40, $0x38;
	[tilespmem:$0x1A400] =	vst v63  }
0xe8: {  	s21 =	simm.s32 $0x16480;
	s22 =	sadd.s32 $0x10, s19  }
0xe9: {  	[hbm4b:s22+s3] =	stream.linear.scatter [tilespmem:s21], [sflag:$0x3], $0x40, $0x38;
	[tilespmem:$0x1A400] =	vst v63  }
0xea: {  	s23 =	simm.s32 $0x16500;
	s16 =	simm.s32 $0x16580;
	s24 =	sadd.s32 $0x20, s19  }
0xeb: {  	[hbm4b:s24+s3] =	stream.linear.scatter [tilespmem:s23], [sflag:$0x3], $0x40, $0x38;
	[tilespmem:$0x1A400] =	vst v63  }
0xec: {  	s18 =	simm.s32 $0x16600;
	s15 =	simm.s32 $0x400;
	s17 =	sadd.s32 $0x30, s19  }
0xed: {  	[hbm4b:s17+s3] =	stream.linear.scatter [tilespmem:s16], [sflag:$0x3], $0x40, $0x38;
	[tilespmem:$0x1A400] =	vst v63  }
0xee: {  	s20 =	sadd.s32 $0x40, s19;
	s21 =	simm.s32 $0x16680;
	s22 =	sadd.s32 $0x50, s19  }
0xef: {  	[hbm4b:s20+s3] =	stream.linear.scatter [tilespmem:s18], [sflag:$0x3], $0x40, $0x38;
	[tilespmem:$0x1A400] =	vst v63  }
0xf0: {  	s23 =	simm.s32 $0x16700;
	s24 =	sadd.s32 $0x60, s19;
	s19 =	sadd.s32 $0x70, s19  }
0xf1: {  	[hbm4b:s22+s3] =	stream.linear.scatter [tilespmem:s21], [sflag:$0x3], $0x40, $0x38;
	[tilespmem:$0x1A400] =	vst v63  }
0xf2: {  	s17 =	simm.s32 $0x16780;
	s16 =	sadd.s32 $0x1000, s14;
	s18 =	simm.s32 $0x2000  }
0xf3: {  	[hbm4b:s24+s3] =	stream.linear.scatter [tilespmem:s23], [sflag:$0x3], $0x40, $0x38;
	[tilespmem:$0x1A400] =	vst v63  }
.LBB2_5:
0xf4: {  	[hbm4b:s19+s3] =	stream.linear.scatter [tilespmem:s17], [sflag:$0x3], $0x40, $0x38;
	[tilespmem:$0x1A400] =	vst v63  }
0xf5: {  	s20 =	smov.u32 s18  }
0xf6: {  	s17 =	sadd.s32 $0x16400, s15;
	s19 =	sadd.s32 $0x16480, s15;
	s21 =	sadd.s32 $0x16580, s15  }
0xf7: {  	[hbm4b:s16+s3] =	stream.linear.scatter [tilespmem:s17], [sflag:$0x3], $0x40, $0x38;
	[tilespmem:$0x1A400] =	vst v63  }
0xf8: {  	s22 =	sshra.s32 s18, $0x2;
	s23 =	sadd.s32 $0x10, s16;
	s17 =	sadd.s32 $0x16780, s15  }
0xf9: {  	[hbm4b:s23+s3] =	stream.linear.scatter [tilespmem:s19], [sflag:$0x3], $0x40, $0x38;
	[tilespmem:$0x1A400] =	vst v63  }
0xfa: {  	s24 =	sadd.s32 $0x20, s16;
	s23 =	sadd.s32 $0x1000, s18;
	s19 =	sadd.s32 $0x16500, s15  }
0xfb: {  	[hbm4b:s24+s3] =	stream.linear.scatter [tilespmem:s19], [sflag:$0x3], $0x40, $0x38;
	[tilespmem:$0x1A400] =	vst v63  }
0xfc: {  	p2 =	sne.s32 s18, $0x7000;
	s18 =	sadd.s32 $0x30, s16  }
0xfd: {  	[hbm4b:s18+s3] =	stream.linear.scatter [tilespmem:s21], [sflag:$0x3], $0x40, $0x38;
	[tilespmem:$0x1A400] =	vst v63  }
0xfe: {  	s19 =	sadd.s32 $0x40, s16;
	s18 =	sadd.s32 $0x16600, s15  }
0xff: {  	[hbm4b:s19+s3] =	stream.linear.scatter [tilespmem:s18], [sflag:$0x3], $0x40, $0x38;
	[tilespmem:$0x1A400] =	vst v63  }
.Ltmp1:
0x100: {  	s18 =	sadd.s32 $0x16680, s15;
	s19 =	sadd.s32 $0x50, s16;
	(pc) =	sbr.rel @p2 .LBB2_5-.Ltmp1, $4  }
0x101: {  	[hbm4b:s19+s3] =	stream.linear.scatter [tilespmem:s18], [sflag:$0x3], $0x40, $0x38;
	[tilespmem:$0x1A400] =	vst v63  }
0x102: {  	s18 =	sadd.s32 $0x16700, s15;
	s19 =	sadd.s32 $0x60, s16;
	s15 =	smov.u32 s22  }
0x103: {  	[hbm4b:s19+s3] =	stream.linear.scatter [tilespmem:s18], [sflag:$0x3], $0x40, $0x38;
	[tilespmem:$0x1A400] =	vst v63  }
0x104: {  	s19 =	sadd.s32 $0x70, s16;
	s16 =	sadd.s32 s20, s14;
	s18 =	smov.u32 s23  }
0x105: {  	[hbm4b:s19+s3] =	stream.linear.scatter [tilespmem:s17], [sflag:$0x3], $0x40, $0x38;
	[tilespmem:$0x1A400] =	vst v63  }
0x106: {  	s14 =	sadd.s32 $0x16400, s15  }
0x107: {  	[hbm4b:s16+s3] =	stream.linear.scatter [tilespmem:s14], [sflag:$0x3], $0x40, $0x38;
	[tilespmem:$0x1A400] =	vst v63  }
0x108: {  	s17 =	sadd.s32 $0x16480, s15;
	s18 =	sadd.s32 $0x10, s16  }
0x109: {  	[hbm4b:s18+s3] =	stream.linear.scatter [tilespmem:s17], [sflag:$0x3], $0x40, $0x38;
	[tilespmem:$0x1A400] =	vst v63  }
0x10a: {  	s19 =	sadd.s32 $0x16500, s15;
	s20 =	sadd.s32 $0x20, s16  }
0x10b: {  	[hbm4b:s20+s3] =	stream.linear.scatter [tilespmem:s19], [sflag:$0x3], $0x40, $0x38;
	[tilespmem:$0x1A400] =	vst v63  }
0x10c: {  	s21 =	sadd.s32 $0x16580, s15;
	s22 =	sadd.s32 $0x30, s16  }
0x10d: {  	[hbm4b:s22+s3] =	stream.linear.scatter [tilespmem:s21], [sflag:$0x3], $0x40, $0x38;
	[tilespmem:$0x1A400] =	vst v63  }
0x10e: {  	s23 =	sadd.s32 $0x16600, s15;
	s24 =	sadd.s32 $0x40, s16  }
0x10f: {  	[hbm4b:s24+s3] =	stream.linear.scatter [tilespmem:s23], [sflag:$0x3], $0x40, $0x38;
	[tilespmem:$0x1A400] =	vst v63  }
0x110: {  	s17 =	sadd.s32 $0x16680, s15;
	s18 =	sadd.s32 $0x50, s16  }
0x111: {  	[hbm4b:s18+s3] =	stream.linear.scatter [tilespmem:s17], [sflag:$0x3], $0x40, $0x38;
	[tilespmem:$0x1A400] =	vst v63  }
0x112: {  	s19 =	sadd.s32 $0x16700, s15;
	s20 =	sadd.s32 $0x60, s16  }
0x113: {  	[hbm4b:s20+s3] =	stream.linear.scatter [tilespmem:s19], [sflag:$0x3], $0x40, $0x38;
	[tilespmem:$0x1A400] =	vst v63  }
0x114: {  	s21 =	sadd.s32 $0x16780, s15;
	s22 =	sadd.s32 $0x70, s16  }
0x115: {  	[hbm4b:s22+s3] =	stream.linear.scatter [tilespmem:s21], [sflag:$0x3], $0x40, $0x38;
	[tilespmem:$0x1A400] =	vst v63  }
0x116: {  	_ =	swait.ge [sflag:s28], $0x2000  }
0x117: {  	[sflag:s28] =	ssyncset.done $0x0  }
0x118: {  	[sflag:s28] =	ssyncadd.s32 $0xFFFFE000  }
0x119: {  	_ =	swait.ge [sflag:s28], $0x2000  }
0x11a: {  	[sflag:s28] =	ssyncset.done $0x0  }
0x11b: {  	[sflag:s28] =	ssyncadd.s32 $0xFFFFE000  }
0x11c: {  	_ =	swait.ge [sflag:s28], $0x2000  }
0x11d: {  	[sflag:s28] =	ssyncset.done $0x0  }
0x11e: {  	[sflag:s28] =	ssyncadd.s32 $0xFFFFE000  }
0x11f: {  	_ =	swait.ge [sflag:s28], $0x2000  }
0x120: {  	[sflag:s28] =	ssyncset.done $0x0  }
0x121: {  	s14 =	simm.s32 @!p1 $0x4;
	[sflag:s28] =	ssyncadd.s32 $0xFFFFE000  }
0x122: {  	_ =	swait.ge @!p1 [sflag:s14], $0x1000  }
0x123: {  	[sflag:s14] =	ssyncset.done @!p1 $0x0  }
0x124: {  	s23 =	simm.s32 $0x0;
	[sflag:s14] =	ssyncadd.s32 @!p1 $0xFFFFF000  }
0x125: {  	v4 =	vld [tilespmem:s23+$0xE400]  }
0x126: {  	v5 =	vld [tilespmem:s23+$0x10400];
	_ =	sdelay $0x1  }
0x127: {  	v6 =	vld [tilespmem:s23+$0x12400]  }
0x128: {  	s24 =	simm.s32 $0x0  }
0x129: {  	v8 =	vmov s24;
	v7 =	vld [tilespmem:s23+$0x14400]  }
0x12a: {  	v4 =	vadd.f32 v5, v4;
	v5 =	vand.u32 $0x7E, v8  }
0x12b: {  	v5 =	vbroadcast v5, $0x0  }
0x12c: {  	v4 =	vadd.f32 v6, v4  }
0x12d: {  	v6 =	vor.u32 v0, v5  }
0x12e: {  	v4 =	vadd.f32 v7, v4;
	_ =	sdelay $0x1  }
0x12f: {  	v4 =	vmul.f32 $2.500000000e-01, v4;
	_ =	sdelay $0x1  }
0x130: {  	[tilespmem:v6+s29+$0x0] =	vst.idx.msk $0xffff, v4  }
0x131: {  	v4 =	vld [tilespmem:s23+$0xE410]  }
0x132: {  	v6 =	vld [tilespmem:s23+$0x10410];
	_ =	sdelay $0x1  }
0x133: {  	v7 =	vld [tilespmem:s23+$0x12410];
	_ =	sdelay $0x1  }
0x134: {  	v8 =	vld [tilespmem:s23+$0x14410]  }
0x135: {  	v4 =	vadd.f32 v6, v4;
	_ =	sdelay $0x1  }
0x136: {  	v4 =	vadd.f32 v7, v4  }
0x137: {  	v6 =	vor.u32 v1, v5  }
0x138: {  	v4 =	vadd.f32 v8, v4;
	_ =	sdelay $0x1  }
0x139: {  	v4 =	vmul.f32 $2.500000000e-01, v4;
	_ =	sdelay $0x1  }
0x13a: {  	[tilespmem:v6+s29+$0x0] =	vst.idx.msk $0xffff, v4  }
0x13b: {  	v4 =	vld [tilespmem:s23+$0xE420]  }
0x13c: {  	v6 =	vld [tilespmem:s23+$0x10420];
	_ =	sdelay $0x1  }
0x13d: {  	v7 =	vld [tilespmem:s23+$0x12420];
	_ =	sdelay $0x1  }
0x13e: {  	v8 =	vld [tilespmem:s23+$0x14420]  }
0x13f: {  	v4 =	vadd.f32 v6, v4;
	_ =	sdelay $0x1  }
0x140: {  	v4 =	vadd.f32 v7, v4  }
0x141: {  	v6 =	vor.u32 v2, v5  }
0x142: {  	v4 =	vadd.f32 v8, v4;
	_ =	sdelay $0x1  }
0x143: {  	v4 =	vmul.f32 $2.500000000e-01, v4;
	_ =	sdelay $0x1  }
0x144: {  	[tilespmem:v6+s29+$0x0] =	vst.idx.msk $0xffff, v4  }
0x145: {  	v4 =	vld [tilespmem:s23+$0xE430]  }
0x146: {  	v6 =	vld [tilespmem:s23+$0x10430];
	_ =	sdelay $0x1  }
0x147: {  	v7 =	vld [tilespmem:s23+$0x12430];
	_ =	sdelay $0x1  }
0x148: {  	v8 =	vld [tilespmem:s23+$0x14430]  }
0x149: {  	v4 =	vadd.f32 v6, v4;
	_ =	sdelay $0x1  }
0x14a: {  	v4 =	vadd.f32 v7, v4  }
0x14b: {  	v5 =	vor.u32 v3, v5  }
0x14c: {  	v4 =	vadd.f32 v8, v4;
	_ =	sdelay $0x1  }
0x14d: {  	v4 =	vmul.f32 $2.500000000e-01, v4;
	_ =	sdelay $0x1  }
0x14e: {  	[tilespmem:v5+s29+$0x0] =	vst.idx.msk $0xffff, v4  }
0x14f: {  	v4 =	vld [tilespmem:s23+$0xE480]  }
0x150: {  	v5 =	vld [tilespmem:s23+$0x10480];
	_ =	sdelay $0x1  }
0x151: {  	v6 =	vld [tilespmem:s23+$0x12480]  }
0x152: {  	s14 =	simm.s32 $0x1  }
0x153: {  	v7 =	vmov s14;
	v8 =	vld [tilespmem:s23+$0x14480]  }
0x154: {  	v5 =	vadd.f32 v5, v4;
	v4 =	vand.u32 $0x7F, v7  }
0x155: {  	v4 =	vbroadcast v4, $0x0  }
0x156: {  	v5 =	vadd.f32 v6, v5  }
0x157: {  	v6 =	vor.u32 v0, v4  }
0x158: {  	v5 =	vadd.f32 v8, v5;
	_ =	sdelay $0x1  }
0x159: {  	v5 =	vmul.f32 $2.500000000e-01, v5;
	_ =	sdelay $0x1  }
0x15a: {  	[tilespmem:v6+s29+$0x0] =	vst.idx.msk $0xffff, v5  }
0x15b: {  	v5 =	vld [tilespmem:s23+$0xE490]  }
0x15c: {  	v6 =	vld [tilespmem:s23+$0x10490];
	_ =	sdelay $0x1  }
0x15d: {  	v7 =	vld [tilespmem:s23+$0x12490];
	_ =	sdelay $0x1  }
0x15e: {  	v8 =	vld [tilespmem:s23+$0x14490]  }
0x15f: {  	v5 =	vadd.f32 v6, v5;
	_ =	sdelay $0x1  }
0x160: {  	v5 =	vadd.f32 v7, v5  }
0x161: {  	v6 =	vor.u32 v1, v4  }
0x162: {  	v5 =	vadd.f32 v8, v5;
	_ =	sdelay $0x1  }
0x163: {  	v5 =	vmul.f32 $2.500000000e-01, v5;
	_ =	sdelay $0x1  }
0x164: {  	[tilespmem:v6+s29+$0x0] =	vst.idx.msk $0xffff, v5  }
0x165: {  	v5 =	vld [tilespmem:s23+$0xE4A0]  }
0x166: {  	v6 =	vld [tilespmem:s23+$0x104A0];
	_ =	sdelay $0x1  }
0x167: {  	v7 =	vld [tilespmem:s23+$0x124A0];
	_ =	sdelay $0x1  }
0x168: {  	v8 =	vld [tilespmem:s23+$0x144A0]  }
0x169: {  	v5 =	vadd.f32 v6, v5;
	_ =	sdelay $0x1  }
0x16a: {  	v5 =	vadd.f32 v7, v5  }
0x16b: {  	v6 =	vor.u32 v2, v4  }
0x16c: {  	v5 =	vadd.f32 v8, v5;
	_ =	sdelay $0x1  }
0x16d: {  	v5 =	vmul.f32 $2.500000000e-01, v5;
	_ =	sdelay $0x1  }
0x16e: {  	[tilespmem:v6+s29+$0x0] =	vst.idx.msk $0xffff, v5  }
0x16f: {  	v5 =	vld [tilespmem:s23+$0xE4B0]  }
0x170: {  	v8 =	vld [tilespmem:s23+$0x104B0]  }
0x171: {  	v7 =	vld [tilespmem:s23+$0x124B0]  }
0x172: {  	s15 =	simm.s32 $0x400;
	v6 =	vld [tilespmem:s23+$0x144B0]  }
.LBB2_7:
0x173: {  	p1 =	sne.s32 s15, $0x7C00  }
0x174: {  	s14 =	sadd.s32 $0x2, s14;
	s16 =	smov.u32 s15;
	s15 =	sadd.s32 $0x400, s15  }
0x175: {  	v5 =	vadd.f32 v8, v5;
	_ =	sdelay $0x1  }
0x176: {  	v4 =	vor.u32 v3, v4;
	v5 =	vadd.f32 v7, v5;
	_ =	sdelay $0x1  }
0x177: {  	v5 =	vadd.f32 v6, v5;
	_ =	sdelay $0x1  }
0x178: {  	v5 =	vmul.f32 $2.500000000e-01, v5  }
0x179: {  	s16 =	sshra.s32 s16, $0x2  }
0x17a: {  	[tilespmem:v4+s29+$0x0] =	vst.idx.msk $0xffff, v5  }
0x17b: {  	v4 =	vld [tilespmem:s16+$0xE400]  }
0x17c: {  	v5 =	vld [tilespmem:s16+$0x10400]  }
0x17d: {  	v6 =	vld [tilespmem:s16+$0x12400];
	_ =	sdelay $0x1  }
0x17e: {  	s17 =	sadd.s32 $0xFFFFFFFF, s14;
	v7 =	vld [tilespmem:s16+$0x14400]  }
0x17f: {  	v8 =	vmov s17  }
0x180: {  	v4 =	vadd.f32 v5, v4;
	v5 =	vand.u32 $0x7E, v8  }
0x181: {  	v5 =	vbroadcast v5, $0x0  }
0x182: {  	v4 =	vadd.f32 v6, v4  }
0x183: {  	v6 =	vor.u32 v0, v5  }
0x184: {  	v4 =	vadd.f32 v7, v4;
	_ =	sdelay $0x1  }
0x185: {  	v4 =	vmul.f32 $2.500000000e-01, v4;
	_ =	sdelay $0x1  }
0x186: {  	[tilespmem:v6+s29+$0x0] =	vst.idx.msk $0xffff, v4  }
0x187: {  	v4 =	vld [tilespmem:s16+$0xE410]  }
0x188: {  	v6 =	vld [tilespmem:s16+$0x10410];
	_ =	sdelay $0x1  }
0x189: {  	v7 =	vld [tilespmem:s16+$0x12410];
	_ =	sdelay $0x1  }
0x18a: {  	v8 =	vld [tilespmem:s16+$0x14410]  }
0x18b: {  	v4 =	vadd.f32 v6, v4;
	_ =	sdelay $0x1  }
0x18c: {  	v4 =	vadd.f32 v7, v4  }
0x18d: {  	v6 =	vor.u32 v1, v5  }
0x18e: {  	v4 =	vadd.f32 v8, v4;
	_ =	sdelay $0x1  }
0x18f: {  	v4 =	vmul.f32 $2.500000000e-01, v4;
	_ =	sdelay $0x1  }
0x190: {  	[tilespmem:v6+s29+$0x0] =	vst.idx.msk $0xffff, v4  }
0x191: {  	v4 =	vld [tilespmem:s16+$0xE420]  }
0x192: {  	v6 =	vld [tilespmem:s16+$0x10420];
	_ =	sdelay $0x1  }
0x193: {  	v7 =	vld [tilespmem:s16+$0x12420];
	_ =	sdelay $0x1  }
0x194: {  	v8 =	vld [tilespmem:s16+$0x14420]  }
0x195: {  	v4 =	vadd.f32 v6, v4;
	_ =	sdelay $0x1  }
0x196: {  	v4 =	vadd.f32 v7, v4  }
0x197: {  	v6 =	vor.u32 v2, v5  }
0x198: {  	v4 =	vadd.f32 v8, v4;
	_ =	sdelay $0x1  }
0x199: {  	v4 =	vmul.f32 $2.500000000e-01, v4;
	_ =	sdelay $0x1  }
0x19a: {  	[tilespmem:v6+s29+$0x0] =	vst.idx.msk $0xffff, v4  }
0x19b: {  	v4 =	vld [tilespmem:s16+$0xE430]  }
0x19c: {  	v6 =	vld [tilespmem:s16+$0x10430]  }
0x19d: {  	v7 =	vld [tilespmem:s16+$0x12430];
	_ =	sdelay $0x2  }
0x19e: {  	v8 =	vld [tilespmem:s16+$0x14430]  }
0x19f: {  	v4 =	vadd.f32 v6, v4;
	_ =	sdelay $0x1  }
0x1a0: {  	v4 =	vadd.f32 v7, v4  }
0x1a1: {  	v5 =	vor.u32 v3, v5  }
0x1a2: {  	v4 =	vadd.f32 v8, v4;
	_ =	sdelay $0x1  }
0x1a3: {  	v4 =	vmul.f32 $2.500000000e-01, v4;
	_ =	sdelay $0x1  }
0x1a4: {  	[tilespmem:v5+s29+$0x0] =	vst.idx.msk $0xffff, v4  }
0x1a5: {  	v4 =	vld [tilespmem:s16+$0xE480]  }
0x1a6: {  	v5 =	vld [tilespmem:s16+$0x10480];
	_ =	sdelay $0x1  }
0x1a7: {  	v6 =	vld [tilespmem:s16+$0x12480];
	_ =	sdelay $0x1  }
0x1a8: {  	v7 =	vmov s14;
	v8 =	vld [tilespmem:s16+$0x14480]  }
0x1a9: {  	v5 =	vadd.f32 v5, v4;
	v4 =	vand.u32 $0x7F, v7  }
0x1aa: {  	v4 =	vbroadcast v4, $0x0  }
0x1ab: {  	v5 =	vadd.f32 v6, v5  }
0x1ac: {  	v6 =	vor.u32 v0, v4  }
0x1ad: {  	v5 =	vadd.f32 v8, v5;
	_ =	sdelay $0x1  }
0x1ae: {  	v5 =	vmul.f32 $2.500000000e-01, v5;
	_ =	sdelay $0x1  }
0x1af: {  	[tilespmem:v6+s29+$0x0] =	vst.idx.msk $0xffff, v5  }
0x1b0: {  	v5 =	vld [tilespmem:s16+$0xE490]  }
0x1b1: {  	v6 =	vld [tilespmem:s16+$0x10490]  }
0x1b2: {  	v7 =	vld [tilespmem:s16+$0x12490]  }
0x1b3: {  	v8 =	vld [tilespmem:s16+$0x14490];
	_ =	sdelay $0x2  }
0x1b4: {  	v5 =	vadd.f32 v6, v5;
	_ =	sdelay $0x1  }
0x1b5: {  	v5 =	vadd.f32 v7, v5  }
0x1b6: {  	v6 =	vor.u32 v1, v4  }
0x1b7: {  	v5 =	vadd.f32 v8, v5;
	_ =	sdelay $0x1  }
0x1b8: {  	v5 =	vmul.f32 $2.500000000e-01, v5;
	_ =	sdelay $0x1  }
0x1b9: {  	[tilespmem:v6+s29+$0x0] =	vst.idx.msk $0xffff, v5  }
0x1ba: {  	v5 =	vld [tilespmem:s16+$0xE4A0]  }
0x1bb: {  	v6 =	vld [tilespmem:s16+$0x104A0]  }
0x1bc: {  	v7 =	vld [tilespmem:s16+$0x124A0]  }
0x1bd: {  	v8 =	vld [tilespmem:s16+$0x144A0];
	_ =	sdelay $0x2  }
0x1be: {  	v5 =	vadd.f32 v6, v5;
	_ =	sdelay $0x1  }
0x1bf: {  	v5 =	vadd.f32 v7, v5  }
0x1c0: {  	v6 =	vor.u32 v2, v4  }
0x1c1: {  	v5 =	vadd.f32 v8, v5;
	_ =	sdelay $0x1  }
0x1c2: {  	v5 =	vmul.f32 $2.500000000e-01, v5;
	_ =	sdelay $0x1  }
.Ltmp2:
0x1c3: {  	[tilespmem:v6+s29+$0x0] =	vst.idx.msk $0xffff, v5;
	(pc) =	sbr.rel @p1 .LBB2_7-.Ltmp2, $4  }
0x1c4: {  	v5 =	vld [tilespmem:s16+$0xE4B0]  }
0x1c5: {  	v8 =	vld [tilespmem:s16+$0x104B0]  }
0x1c6: {  	v7 =	vld [tilespmem:s16+$0x124B0]  }
0x1c7: {  	v6 =	vld [tilespmem:s16+$0x144B0]  }
0x1c8: {  	_ =	sdelay $0x1  }
0x1c9: {  	v5 =	vadd.f32 v8, v5;
	_ =	sdelay $0x1  }
0x1ca: {  	v5 =	vadd.f32 v7, v5  }
0x1cb: {  	v4 =	vor.u32 v3, v4  }
0x1cc: {  	v5 =	vadd.f32 v6, v5;
	_ =	sdelay $0x1  }
0x1cd: {  	s11 =	sadd.s32 @!p0 $0x300, s11;
	v5 =	vmul.f32 $2.500000000e-01, v5  }
0x1ce: {  	s11 =	sand.u32 @!p0 $0xFE00, s11  }
0x1cf: {  	s15 =	simm.s32 @!p0 $0x40;
	s16 =	simm.s32 @!p0 $0xE400;
	s14 =	sor.u32 @!p0 $0x40, s11;
	[tilespmem:v4+s29+$0x0] =	vst.idx.msk $0xffff, v5  }
0x1d0: {  	[tilespmem:s16], [sflag:$0x2] =	stream.indirect.gather @!p0 [hbm4b:s4+s15], $0x80, s14, s15, $0xb8;
	[tilespmem:$0x1A400] =	vst v63  }
0x1d1: {  	s14 =	sor.u32 @!p0 $0xC0, s11;
	s16 =	simm.s32 @!p0 $0x10400  }
0x1d2: {  	[tilespmem:s16], [sflag:$0x2] =	stream.indirect.gather @!p0 [hbm4b:s4+s15], $0x80, s14, s15, $0xb8;
	[tilespmem:$0x1A400] =	vst v63  }
0x1d3: {  	s14 =	sor.u32 @!p0 $0x140, s11;
	s16 =	simm.s32 @!p0 $0x12400  }
0x1d4: {  	[tilespmem:s16], [sflag:$0x2] =	stream.indirect.gather @!p0 [hbm4b:s4+s15], $0x80, s14, s15, $0xb8;
	[tilespmem:$0x1A400] =	vst v63  }
0x1d5: {  	s21 =	sor.u32 s12, s13;
	s11 =	sor.u32 @!p0 $0x1C0, s11;
	s14 =	simm.s32 @!p0 $0x14400  }
0x1d6: {  	[tilespmem:s14], [sflag:$0x2] =	stream.indirect.gather @!p0 [hbm4b:s4+s15], $0x80, s11, s15, $0xb8;
	[tilespmem:$0x1A400] =	vst v63  }
0x1d7: {  	s11 =	sadd.s32 s21, s7  }
0x1d8: {  	s22 =	simm.s32 $0x18400;
	s16 =	sadd.s32 $0x0, s11  }
0x1d9: {  	[hbm4b:s16+s3] =	stream.linear.scatter [tilespmem:s22], [sflag:$0x4], $0x40, $0x38;
	[tilespmem:$0x1A400] =	vst v63  }
0x1da: {  	s23 =	simm.s32 $0x18480;
	s24 =	sadd.s32 $0x10, s16  }
0x1db: {  	[hbm4b:s24+s3] =	stream.linear.scatter [tilespmem:s23], [sflag:$0x4], $0x40, $0x38;
	[tilespmem:$0x1A400] =	vst v63  }
0x1dc: {  	s17 =	simm.s32 $0x18580;
	s14 =	simm.s32 $0x18500;
	s15 =	sadd.s32 $0x20, s16  }
0x1dd: {  	[hbm4b:s15+s3] =	stream.linear.scatter [tilespmem:s14], [sflag:$0x4], $0x40, $0x38;
	[tilespmem:$0x1A400] =	vst v63  }
0x1de: {  	s19 =	simm.s32 $0x18600;
	s12 =	simm.s32 $0x400;
	s18 =	sadd.s32 $0x30, s16  }
0x1df: {  	[hbm4b:s18+s3] =	stream.linear.scatter [tilespmem:s17], [sflag:$0x4], $0x40, $0x38;
	[tilespmem:$0x1A400] =	vst v63  }
0x1e0: {  	s21 =	simm.s32 $0x18680;
	s13 =	sadd.s32 $0x1000, s11;
	s20 =	sadd.s32 $0x40, s16  }
0x1e1: {  	[hbm4b:s20+s3] =	stream.linear.scatter [tilespmem:s19], [sflag:$0x4], $0x40, $0x38;
	[tilespmem:$0x1A400] =	vst v63  }
0x1e2: {  	s22 =	sadd.s32 $0x50, s16;
	s23 =	simm.s32 $0x18700;
	s24 =	sadd.s32 $0x60, s16  }
0x1e3: {  	[hbm4b:s22+s3] =	stream.linear.scatter [tilespmem:s21], [sflag:$0x4], $0x40, $0x38;
	[tilespmem:$0x1A400] =	vst v63  }
0x1e4: {  	s16 =	sadd.s32 $0x70, s16;
	s14 =	simm.s32 $0x18780;
	s15 =	simm.s32 $0x2000  }
0x1e5: {  	[hbm4b:s24+s3] =	stream.linear.scatter [tilespmem:s23], [sflag:$0x4], $0x40, $0x38;
	[tilespmem:$0x1A400] =	vst v63  }
.LBB2_9:
0x1e6: {  	[hbm4b:s16+s3] =	stream.linear.scatter [tilespmem:s14], [sflag:$0x4], $0x40, $0x38;
	[tilespmem:$0x1A400] =	vst v63  }
0x1e7: {  	s17 =	smov.u32 s15  }
0x1e8: {  	s14 =	sadd.s32 $0x18400, s12;
	s16 =	sadd.s32 $0x18480, s12;
	s18 =	sadd.s32 $0x18580, s12  }
0x1e9: {  	[hbm4b:s13+s3] =	stream.linear.scatter [tilespmem:s14], [sflag:$0x4], $0x40, $0x38;
	[tilespmem:$0x1A400] =	vst v63  }
0x1ea: {  	s19 =	sshra.s32 s15, $0x2;
	s20 =	sadd.s32 $0x10, s13;
	s14 =	sadd.s32 $0x18780, s12  }
0x1eb: {  	[hbm4b:s20+s3] =	stream.linear.scatter [tilespmem:s16], [sflag:$0x4], $0x40, $0x38;
	[tilespmem:$0x1A400] =	vst v63  }
0x1ec: {  	s21 =	sadd.s32 $0x20, s13;
	s20 =	sadd.s32 $0x1000, s15;
	s16 =	sadd.s32 $0x18500, s12  }
0x1ed: {  	[hbm4b:s21+s3] =	stream.linear.scatter [tilespmem:s16], [sflag:$0x4], $0x40, $0x38;
	[tilespmem:$0x1A400] =	vst v63  }
0x1ee: {  	p0 =	sne.s32 s15, $0x7000;
	s15 =	sadd.s32 $0x30, s13  }
0x1ef: {  	[hbm4b:s15+s3] =	stream.linear.scatter [tilespmem:s18], [sflag:$0x4], $0x40, $0x38;
	[tilespmem:$0x1A400] =	vst v63  }
0x1f0: {  	s16 =	sadd.s32 $0x40, s13;
	s15 =	sadd.s32 $0x18600, s12  }
0x1f1: {  	[hbm4b:s16+s3] =	stream.linear.scatter [tilespmem:s15], [sflag:$0x4], $0x40, $0x38;
	[tilespmem:$0x1A400] =	vst v63  }
.Ltmp3:
0x1f2: {  	s15 =	sadd.s32 $0x18680, s12;
	s16 =	sadd.s32 $0x50, s13;
	(pc) =	sbr.rel @p0 .LBB2_9-.Ltmp3, $4  }
0x1f3: {  	[hbm4b:s16+s3] =	stream.linear.scatter [tilespmem:s15], [sflag:$0x4], $0x40, $0x38;
	[tilespmem:$0x1A400] =	vst v63  }
0x1f4: {  	s15 =	sadd.s32 $0x18700, s12;
	s16 =	sadd.s32 $0x60, s13;
	s12 =	smov.u32 s19  }
0x1f5: {  	[hbm4b:s16+s3] =	stream.linear.scatter [tilespmem:s15], [sflag:$0x4], $0x40, $0x38;
	[tilespmem:$0x1A400] =	vst v63  }
0x1f6: {  	s16 =	sadd.s32 $0x70, s13;
	s13 =	sadd.s32 s17, s11;
	s15 =	smov.u32 s20  }
0x1f7: {  	[hbm4b:s16+s3] =	stream.linear.scatter [tilespmem:s14], [sflag:$0x4], $0x40, $0x38;
	[tilespmem:$0x1A400] =	vst v63  }
0x1f8: {  	s11 =	sadd.s32 $0x18400, s12  }
0x1f9: {  	[hbm4b:s13+s3] =	stream.linear.scatter [tilespmem:s11], [sflag:$0x4], $0x40, $0x38;
	[tilespmem:$0x1A400] =	vst v63  }
0x1fa: {  	s21 =	sadd.s32 $0x18480, s12;
	s22 =	sadd.s32 $0x10, s13  }
0x1fb: {  	[hbm4b:s22+s3] =	stream.linear.scatter [tilespmem:s21], [sflag:$0x4], $0x40, $0x38;
	[tilespmem:$0x1A400] =	vst v63  }
0x1fc: {  	s23 =	sadd.s32 $0x18500, s12;
	s24 =	sadd.s32 $0x20, s13  }
0x1fd: {  	[hbm4b:s24+s3] =	stream.linear.scatter [tilespmem:s23], [sflag:$0x4], $0x40, $0x38;
	[tilespmem:$0x1A400] =	vst v63  }
0x1fe: {  	s15 =	sadd.s32 $0x18580, s12;
	s16 =	sadd.s32 $0x30, s13  }
0x1ff: {  	[hbm4b:s16+s3] =	stream.linear.scatter [tilespmem:s15], [sflag:$0x4], $0x40, $0x38;
	[tilespmem:$0x1A400] =	vst v63  }
0x200: {  	s17 =	sadd.s32 $0x18600, s12;
	s18 =	sadd.s32 $0x40, s13;
	s1 =	sadd.s32 $0x1, s1  }
0x201: {  	[hbm4b:s18+s3] =	stream.linear.scatter [tilespmem:s17], [sflag:$0x4], $0x40, $0x38;
	[tilespmem:$0x1A400] =	vst v63  }
0x202: {  	s19 =	sadd.s32 $0x18680, s12;
	s20 =	sadd.s32 $0x50, s13;
	p0 =	sne.s32 s1, $0x32  }
0x203: {  	[hbm4b:s20+s3] =	stream.linear.scatter [tilespmem:s19], [sflag:$0x4], $0x40, $0x38;
	[tilespmem:$0x1A400] =	vst v63  }
.Ltmp4:
0x204: {  	_ = 	snop;
	(pc) =	sbr.rel @p0 .LBB2_2-.Ltmp4, $4  }
0x205: {  	s21 =	sadd.s32 $0x18700, s12;
	s22 =	sadd.s32 $0x60, s13  }
0x206: {  	[hbm4b:s22+s3] =	stream.linear.scatter [tilespmem:s21], [sflag:$0x4], $0x40, $0x38;
	[tilespmem:$0x1A400] =	vst v63  }
0x207: {  	s23 =	sadd.s32 $0x18780, s12;
	s24 =	sadd.s32 $0x70, s13  }
0x208: {  	[hbm4b:s24+s3] =	stream.linear.scatter [tilespmem:s23], [sflag:$0x4], $0x40, $0x38;
	[tilespmem:$0x1A400] =	vst v63  }
0x209: {  	s0 =	sadd.s32 $0x1, s0  }
0x20a: {  	_ =	swait.ge [sflag:s30], $0x1000;
	p0 =	sne.s32 s0, s8  }
.Ltmp5:
0x20b: {  	[sflag:s30] =	ssyncset.done $0x0;
	(pc) =	sbr.rel @p0 .LBB2_1-.Ltmp5, $4  }
0x20c: {  	[sflag:s30] =	ssyncadd.s32 $0xFFFFF000  }
0x20d: {  	_ =	swait.ge [sflag:s31], $0x1000  }
0x20e: {  	[sflag:s31] =	ssyncset.done $0x0  }
0x20f: {  	[sflag:s31] =	ssyncadd.s32 $0xFFFFF000  }
0x210: {  	_ =	sfence.sel $0x180000  }
0x211: {  	[bflag:$0x0] =	sbarrier.arrive $0xFFFF  }
0x212: {  	_ =	strace $0x90000047  }
0x213: {  	s0 =	stileid.u32;
	[bflag:$0x2] =	sbarrier.arrive $0xFFFF  }
0x214: {  	p0 =	sne.s32 s0, $0x0;
	s0 =	rddreg [dreg:$0x3]  }
0x215: {  	s0 =	sadd.s32 @!p0 $0x100000, s0  }
0x216: {  	[sflag:s0] =	ssyncadd.tile.s32 @!p0 $0x1;
	_ =	shalt  }
.Lfunc_end2:
_tile_overlayer_lowered:
.L_overlay_start_2:
0x217: {  	(tag) =	ssettag $0x2  }
0x218: {  	s0 =	rddreg [dreg:$0x0];
	s2 =	stileid.u32  }
0x219: {  	s1 =	rddreg [dreg:$0x1];
	p0 =	sne.s32 s2, $0x0  }
0x21a: {  	s3 =	rddreg [dreg:$0x2];
	[bflag:$0x3] =	sbarrier.arrive $0xFFFF;
	s2 =	simm.s32 @!p0 $0x1C05  }
0x21b: {  	[timem:s3], [sflag:s2] =	dma.local @!p0 [hbm:s0], s1  }
0x21c: {  	s0 =	simm.s32 @!p0 $0x5  }
0x21d: {  	_ =	swait.ge @!p0 [sflag:s0], s1  }
0x21e: {  	s1 =	ssub.s32 @!p0 $0x0, s1;
	[sflag:s0] =	ssyncset.done @!p0 $0x0  }
0x21f: {  	[sflag:s0] =	ssyncadd.s32 @!p0 s1  }
0x220: {  	[bflag:$0x3] =	sbarrier.arrive $0xFFFF  }
0x221: {  	_ =	shalt  }

</sc_bundles>
